<compile_context>
chip_gen: v7x
topology: tpu7x:2x2x1
jax: 0.10.2.dev20260603
libtpu: 0.0.44.dev20260713+nightly
codegen_flags: <defaults>
</compile_context>

<pallas_src>
import functools

import jax
import jax.numpy as jnp
from jax import lax
from jax.experimental import pallas as pl
from jax.experimental.pallas import tpu as pltpu
from jax.experimental.pallas import tpu_sc as plsc

_DIM = 128
_LEVELS = 16
_CLIP = 3.0 / (_DIM ** 0.5)
_STEP = (2.0 * _CLIP) / (_LEVELS - 1)
_INV_STEP = 1.0 / _STEP
_HALF = (_LEVELS - 1) / 2.0

_NC = 2
_NS = 16
_NW = _NC * _NS
_L = 16

_CHUNK = 256


def _compute_chunk(buf, table):
    tbl = table[...]

    @plsc.parallel_loop(0, _CHUNK, unroll=4)
    def _row(i):
        for j in range(_DIM // _L):
            v = buf[i, pl.ds(j * _L, _L)]
            vc = jnp.minimum(jnp.maximum(v, -_CLIP), _CLIP)
            t = vc * _INV_STEP + (_HALF + 0.5)
            idx = t.astype(jnp.int32)
            buf[i, pl.ds(j * _L, _L)] = tbl.at[idx].get(mode="promise_in_bounds")


def _sc_quant_body(y_hbm, o_hbm, b0, b1, table, is0, is1, os0, os1, *, row0=0):
    wid = lax.axis_index("s") * _NC + lax.axis_index("c")
    n = o_hbm.shape[0]
    rows_per_w = n // _NW
    chunks = rows_per_w // _CHUNK
    base_row = wid * rows_per_w
    bufs = (b0, b1)
    isems = (is0, is1)
    osems = (os0, os1)

    lvl = lax.iota(jnp.int32, _L).astype(jnp.float32)
    table[...] = (lvl - _HALF) * _STEP

    def in_slice(g):
        return y_hbm.at[pl.ds(row0 + base_row + g * _CHUNK, _CHUNK)]

    def out_slice(g):
        return o_hbm.at[pl.ds(base_row + g * _CHUNK, _CHUNK)]

    pltpu.async_copy(in_slice(0), bufs[0], isems[0])

    def outer(p, _):
        for b in range(2):
            g = p * 2 + b
            nb = 1 - b

            @pl.when(g >= 1)
            def _wait_prev_out():
                pltpu.make_async_copy(bufs[nb], out_slice(g - 1), osems[nb]).wait()

            @pl.when(g + 1 < chunks)
            def _start_next_in():
                pltpu.async_copy(in_slice(g + 1), bufs[nb], isems[nb])

            pltpu.make_async_copy(in_slice(g), bufs[b], isems[b]).wait()
            _compute_chunk(bufs[b], table)
            pltpu.async_copy(bufs[b], out_slice(g), osems[b])
        return _

    lax.fori_loop(0, chunks // 2, outer, 0)
    pltpu.make_async_copy(bufs[1], out_slice(chunks - 1), osems[1]).wait()


def _sc_part(y, n_sc, d, row0):
    return pl.kernel(
        functools.partial(_sc_quant_body, row0=row0),
        out_type=jax.ShapeDtypeStruct((n_sc, d), y.dtype),
        mesh=plsc.VectorSubcoreMesh(core_axis_name="c", subcore_axis_name="s"),
        scratch_types=[
            pltpu.VMEM((_CHUNK, _DIM), jnp.float32),
            pltpu.VMEM((_CHUNK, _DIM), jnp.float32),
            pltpu.VMEM((_L,), jnp.float32),
            pltpu.SemaphoreType.DMA,
            pltpu.SemaphoreType.DMA,
            pltpu.SemaphoreType.DMA,
            pltpu.SemaphoreType.DMA,
        ],
    )(y)


def _tc_quant_body(y_ref, o_ref):
    v = y_ref[...]
    vc = jnp.clip(v, -_CLIP, _CLIP)
    t = vc * _INV_STEP + _HALF
    k = jnp.floor(t + 0.5)
    o_ref[...] = (k - _HALF) * _STEP


_N_TC = 507904
_TC_BLK = 16384


def kernel(y):
    n, d = y.shape
    out_sc = _sc_part(y, n - _N_TC, d, _N_TC)
    out_tc_full = pl.pallas_call(
        _tc_quant_body,
        out_shape=jax.ShapeDtypeStruct((n, d), y.dtype),
        grid=(_N_TC // _TC_BLK,),
        in_specs=[pl.BlockSpec((_TC_BLK, d), lambda i: (i, 0))],
        out_specs=pl.BlockSpec((_TC_BLK, d), lambda i: (i, 0)),
    )(y)
    return lax.dynamic_update_slice(out_tc_full, out_sc, (_N_TC, 0))

# --- scband reference (transcript-rebuilt; emitter-appended) ---
"""Pipeline reference for scband-base-turbo-quant-1511828488436 (READ-ONLY COPY).

The authoritative reference and input builder live on the scoring server;
editing this copy changes nothing except your own understanding.
"""

import jax, jax.numpy as jnp
import numpy as np

DIM = 128
BITS = 4
CLIP_SIGMA = 3.0


def setup_inputs(seed: int = 0) -> dict:
    key = jax.random.key(seed)
    # y plays the role of the already-rotated activations fed to _quantize_rotated.
    # Scale by 1/sqrt(dim) so coordinates are on the same scale as the clip value
    # clip_sigma/sqrt(dim), matching unit-norm rotated vectors.
    y = jax.random.normal(key, (524288, DIM), dtype=jnp.float32) / np.sqrt(DIM)
    return {"y": y}


def reference(y):
    # Faithful translation of _BaseTurboQuant._quantize_rotated followed by
    # _dequantize_rotated (the implemented, runnable path of the base class).
    levels = 2 ** BITS
    clip = CLIP_SIGMA / (DIM ** 0.5)
    codebook = jnp.linspace(-clip, clip, levels, dtype=y.dtype)
    boundaries = (codebook[:-1] + codebook[1:]) * 0.5
    # torch.clamp(min=codebook[0], max=codebook[-1])
    y_clamped = jnp.clip(y, codebook[0], codebook[-1])
    # torch.bucketize(y_clamped, boundaries) with right=False == searchsorted side='left'
    idx = jnp.searchsorted(boundaries, y_clamped, side='left').astype(jnp.int32)
    # _dequantize_rotated: codebook gather
    y_hat = codebook[idx]
    return y_hat

if __name__ == "__main__":
    import jax
    _d = setup_inputs()
    print(jax.jit(kernel)(*tuple(_d.values())))

</pallas_src>

<mosaic_0001>
#map = affine_map<(d0, d1) -> (0, 0)>
module attributes {stable_mosaic.version = 14 : i64} {
  func.func @_sc_quant_body(%arg0: i32, %arg1: i32, %arg2: memref<524288x128xf32, #tpu.memory_space<hbm>>, %arg3: memref<16384x128xf32, #tpu.memory_space<hbm>>, %arg4: memref<256x128xf32, #tpu.memory_space<vmem>>, %arg5: memref<256x128xf32, #tpu.memory_space<vmem>>, %arg6: memref<16xf32, #tpu.memory_space<vmem>>, %arg7: memref<!tpu.dma_semaphore, #tpu.memory_space<semaphore_mem>>, %arg8: memref<!tpu.dma_semaphore, #tpu.memory_space<semaphore_mem>>, %arg9: memref<!tpu.dma_semaphore, #tpu.memory_space<semaphore_mem>>, %arg10: memref<!tpu.dma_semaphore, #tpu.memory_space<semaphore_mem>>) attributes {dimension_semantics = [#tpu.dimension_semantics<core_parallel>, #tpu.dimension_semantics<subcore_parallel>], iteration_bounds = array<i64: 2, 16>, scalar_prefetch = 0 : i64, scratch_operands = 7 : i64, tpu.core_type = #tpu.core_type<sc_vector_subcore>, window_params = [{transform_indices = #map}, {transform_indices = #map}]} {
    %mul3A = arith.constant 2 : i32
    %mul3A_0 = arith.muli %arg1, %mul3A : i32
    %add3A = arith.addi %mul3A_0, %arg0 : i32
    %mul3A_1 = arith.constant 512 : i32
    %mul3A_2 = arith.muli %add3A, %mul3A_1 : i32
    %iota3A = tpu.iota {dimensions = array<i32: 0>} : vector<16xi32>
    %convert_element_type3A = arith.sitofp %iota3A : vector<16xi32> to vector<16xf32>
    %sub3A = arith.constant 7.500000e+00 : f32
    %sub3A_3 = vector.broadcast %sub3A : f32 to vector<16xf32>
    %sub3A_4 = arith.subf %convert_element_type3A, %sub3A_3 : vector<16xf32>
    %mul3A_5 = arith.constant 0.0353553407 : f32
    %mul3A_6 = vector.broadcast %mul3A_5 : f32 to vector<16xf32>
    %mul3A_7 = arith.mulf %sub3A_4, %mul3A_6 : vector<16xf32>
    %swap3A = arith.constant 0 : index
    %swap3A_8 = tpu.vector_load %arg6[%swap3A] {strides = array<i32>} : memref<16xf32, #tpu.memory_space<vmem>>, vector<16xf32>,
    %swap3A_9 = vector.shape_cast %swap3A_8 : vector<16xf32> to vector<16xf32>
    %swap3A_10 = vector.shape_cast %mul3A_7 : vector<16xf32> to vector<16xf32>
    tpu.vector_store %arg6[%swap3A], %swap3A_10 {strides = array<i32>} : memref<16xf32, #tpu.memory_space<vmem>>, vector<16xf32>,
    %add3A_11 = arith.constant 507904 : i32
    %add3A_12 = arith.addi %add3A_11, %mul3A_2 : i32
    %add3A_13 = arith.constant 0 : i32
    %add3A_14 = arith.addi %add3A_12, %add3A_13 : i32
    %dma_start3A = arith.constant 0 : i32
    %dma_start3A_15 = tpu.memref_slice %arg2[%add3A_14, %dma_start3A] : memref<524288x128xf32, #tpu.memory_space<hbm>> -> memref<256x128xf32, #tpu.memory_space<hbm>>
    %dma_start3A_16 = arith.constant 0 : i32
    %dma_start3A_17 = tpu.memref_slice %arg2[%add3A_14, %dma_start3A_16] : memref<524288x128xf32, #tpu.memory_space<hbm>> -> memref<256x128xf32, #tpu.memory_space<hbm>>
    tpu.enqueue_dma source(%dma_start3A_17 : memref<256x128xf32, #tpu.memory_space<hbm>>) target(%arg4 : memref<256x128xf32, #tpu.memory_space<vmem>>) target_semaphore(%arg7 : memref<!tpu.dma_semaphore, #tpu.memory_space<semaphore_mem>>)
    %scan3A = arith.constant 0 : i32
    %scan3A_18 = arith.constant 0 : i32
    %mul3A_19 = arith.constant 2 : i32
    %mul3A_20 = arith.muli %scan3A_18, %mul3A_19 : i32
    %add3A_21 = arith.constant 0 : i32
    %add3A_22 = arith.addi %mul3A_20, %add3A_21 : i32
    %ge3A = arith.constant 1 : i32
    %ge3A_23 = arith.cmpi sge, %add3A_22, %ge3A : i32
    %convert_element_type3A_24 = arith.extui %ge3A_23 : i1 to i32
    %cond3A = arith.constant 0 : i32
    %cond3A_25 = arith.cmpi ne, %convert_element_type3A_24, %cond3A : i32
    scf.if %cond3A_25 {
      %sub3A_96 = arith.constant 1 : i32
      %sub3A_97 = arith.subi %add3A_22, %sub3A_96 : i32
      %mul3A_98 = arith.constant 256 : i32
      %mul3A_99 = arith.muli %sub3A_97, %mul3A_98 : i32
      %add3A_100 = arith.addi %mul3A_2, %mul3A_99 : i32
      %dma_wait3A_101 = arith.constant 0 : i32
      %dma_wait3A_102 = tpu.memref_slice %arg3[%add3A_100, %dma_wait3A_101] : memref<16384x128xf32, #tpu.memory_space<hbm>> -> memref<256x128xf32, #tpu.memory_space<hbm>>
      %dma_wait3A_103 = arith.constant 0 : i32
      %dma_wait3A_104 = tpu.memref_slice %arg3[%add3A_100, %dma_wait3A_103] : memref<16384x128xf32, #tpu.memory_space<hbm>> -> memref<256x128xf32, #tpu.memory_space<hbm>>
      tpu.wait_dma2 semaphore(%arg10 : memref<!tpu.dma_semaphore, #tpu.memory_space<semaphore_mem>>) src(%arg5 : memref<256x128xf32, #tpu.memory_space<vmem>>) dst(%dma_wait3A_104 : memref<256x128xf32, #tpu.memory_space<hbm>>)
    } else {
    }
    %add3A_26 = arith.constant 1 : i32
    %add3A_27 = arith.addi %add3A_22, %add3A_26 : i32
    %lt3A = arith.constant 2 : i32
    %lt3A_28 = arith.cmpi slt, %add3A_27, %lt3A : i32
    %convert_element_type3A_29 = arith.extui %lt3A_28 : i1 to i32
    %cond3A_30 = arith.constant 0 : i32
    %cond3A_31 = arith.cmpi ne, %convert_element_type3A_29, %cond3A_30 : i32
    scf.if %cond3A_31 {
      %add3A_96 = arith.constant 1 : i32
      %add3A_97 = arith.addi %add3A_22, %add3A_96 : i32
      %add3A_98 = arith.constant 507904 : i32
      %add3A_99 = arith.addi %add3A_98, %mul3A_2 : i32
      %mul3A_100 = arith.constant 256 : i32
      %mul3A_101 = arith.muli %add3A_97, %mul3A_100 : i32
      %add3A_102 = arith.addi %add3A_99, %mul3A_101 : i32
      %dma_start3A_103 = arith.constant 0 : i32
      %dma_start3A_104 = tpu.memref_slice %arg2[%add3A_102, %dma_start3A_103] : memref<524288x128xf32, #tpu.memory_space<hbm>> -> memref<256x128xf32, #tpu.memory_space<hbm>>
      %dma_start3A_105 = arith.constant 0 : i32
      %dma_start3A_106 = tpu.memref_slice %arg2[%add3A_102, %dma_start3A_105] : memref<524288x128xf32, #tpu.memory_space<hbm>> -> memref<256x128xf32, #tpu.memory_space<hbm>>
      tpu.enqueue_dma source(%dma_start3A_106 : memref<256x128xf32, #tpu.memory_space<hbm>>) target(%arg5 : memref<256x128xf32, #tpu.memory_space<vmem>>) target_semaphore(%arg8 : memref<!tpu.dma_semaphore, #tpu.memory_space<semaphore_mem>>)
    } else {
    }
    %add3A_32 = arith.constant 507904 : i32
    %add3A_33 = arith.addi %add3A_32, %mul3A_2 : i32
    %mul3A_34 = arith.constant 256 : i32
    %mul3A_35 = arith.muli %add3A_22, %mul3A_34 : i32
    %add3A_36 = arith.addi %add3A_33, %mul3A_35 : i32
    %dma_wait3A = arith.constant 0 : i32
    %dma_wait3A_37 = tpu.memref_slice %arg2[%add3A_36, %dma_wait3A] : memref<524288x128xf32, #tpu.memory_space<hbm>> -> memref<256x128xf32, #tpu.memory_space<hbm>>
    %dma_wait3A_38 = arith.constant 0 : i32
    %dma_wait3A_39 = tpu.memref_slice %arg2[%add3A_36, %dma_wait3A_38] : memref<524288x128xf32, #tpu.memory_space<hbm>> -> memref<256x128xf32, #tpu.memory_space<hbm>>
    tpu.wait_dma2 semaphore(%arg7 : memref<!tpu.dma_semaphore, #tpu.memory_space<semaphore_mem>>) src(%dma_wait3A_39 : memref<256x128xf32, #tpu.memory_space<hbm>>) dst(%arg4 : memref<256x128xf32, #tpu.memory_space<vmem>>)
    %get3A = arith.constant 0 : index
    %get3A_40 = tpu.vector_load %arg6[%get3A] {strides = array<i32>} : memref<16xf32, #tpu.memory_space<vmem>>, vector<16xf32>,
    %get3A_41 = vector.shape_cast %get3A_40 : vector<16xf32> to vector<16xf32>
    %parallel_loop3A = arith.constant 0 : i32
    %parallel_loop3A_42 = arith.constant 256 : i32
    %parallel_loop3A_43 = arith.constant 1 : i32
    scf.for %parallel_loop3A_96 = %parallel_loop3A to %parallel_loop3A_42 step %parallel_loop3A_43  : i32 {
      %parallel_loop3A_97 = arith.index_cast %parallel_loop3A_96 : i32 to index
      %parallel_loop3A_98 = arith.constant 0 : index
      %parallel_loop3A_99 = tpu.vector_load %arg4[%parallel_loop3A_97, %parallel_loop3A_98] {strides = array<i32>} : memref<256x128xf32, #tpu.memory_space<vmem>>, vector<1x16xf32>,
      %parallel_loop3A_100 = vector.shape_cast %parallel_loop3A_99 : vector<1x16xf32> to vector<16xf32>
      %parallel_loop3A_101 = arith.constant -0.265165031 : f32
      %parallel_loop3A_102 = vector.broadcast %parallel_loop3A_101 : f32 to vector<16xf32>
      %parallel_loop3A_103 = arith.maximumf %parallel_loop3A_100, %parallel_loop3A_102 : vector<16xf32>
      %parallel_loop3A_104 = arith.constant 0.265165031 : f32
      %parallel_loop3A_105 = vector.broadcast %parallel_loop3A_104 : f32 to vector<16xf32>
      %parallel_loop3A_106 = arith.minimumf %parallel_loop3A_103, %parallel_loop3A_105 : vector<16xf32>
      %parallel_loop3A_107 = arith.constant 28.2842712 : f32
      %parallel_loop3A_108 = vector.broadcast %parallel_loop3A_107 : f32 to vector<16xf32>
      %parallel_loop3A_109 = arith.mulf %parallel_loop3A_106, %parallel_loop3A_108 : vector<16xf32>
      %parallel_loop3A_110 = arith.constant 8.000000e+00 : f32
      %parallel_loop3A_111 = vector.broadcast %parallel_loop3A_110 : f32 to vector<16xf32>
      %parallel_loop3A_112 = arith.addf %parallel_loop3A_109, %parallel_loop3A_111 : vector<16xf32>
      %parallel_loop3A_113 = arith.fptosi %parallel_loop3A_112 : vector<16xf32> to vector<16xi32>
      %parallel_loop3A_114 = arith.constant 0 : i32
      %parallel_loop3A_115 = vector.broadcast %parallel_loop3A_114 : i32 to vector<16xi32>
      %parallel_loop3A_116 = arith.cmpi slt, %parallel_loop3A_113, %parallel_loop3A_115 : vector<16xi32>
      %parallel_loop3A_117 = arith.constant 16 : i32
      %parallel_loop3A_118 = vector.broadcast %parallel_loop3A_117 : i32 to vector<16xi32>
      %parallel_loop3A_119 = arith.addi %parallel_loop3A_113, %parallel_loop3A_118 : vector<16xi32>
      %parallel_loop3A_120 = arith.select %parallel_loop3A_116, %parallel_loop3A_119, %parallel_loop3A_113 : vector<16xi1>, vector<16xi32>
      %parallel_loop3A_121 = vector.shape_cast %parallel_loop3A_120 : vector<16xi32> to vector<16x1xi32>
      %parallel_loop3A_122 = vector.shape_cast %parallel_loop3A_121 : vector<16x1xi32> to vector<16xi32>
      %parallel_loop3A_123 = tpu.dynamic_gather %get3A_41[%parallel_loop3A_122] in [0] : vector<16xf32>, vector<16xi32> -> vector<16xf32>
      %parallel_loop3A_124 = arith.index_cast %parallel_loop3A_96 : i32 to index
      %parallel_loop3A_125 = arith.constant 0 : index
      %parallel_loop3A_126 = tpu.vector_load %arg4[%parallel_loop3A_124, %parallel_loop3A_125] {strides = array<i32>} : memref<256x128xf32, #tpu.memory_space<vmem>>, vector<1x16xf32>,
      %parallel_loop3A_127 = vector.shape_cast %parallel_loop3A_126 : vector<1x16xf32> to vector<16xf32>
      %parallel_loop3A_128 = vector.shape_cast %parallel_loop3A_123 : vector<16xf32> to vector<1x16xf32>
      tpu.vector_store %arg4[%parallel_loop3A_124, %parallel_loop3A_125], %parallel_loop3A_128 {strides = array<i32>} : memref<256x128xf32, #tpu.memory_space<vmem>>, vector<1x16xf32>,
      %parallel_loop3A_129 = arith.index_cast %parallel_loop3A_96 : i32 to index
      %parallel_loop3A_130 = arith.constant 16 : index
      %parallel_loop3A_131 = tpu.vector_load %arg4[%parallel_loop3A_129, %parallel_loop3A_130] {strides = array<i32>} : memref<256x128xf32, #tpu.memory_space<vmem>>, vector<1x16xf32>,
      %parallel_loop3A_132 = vector.shape_cast %parallel_loop3A_131 : vector<1x16xf32> to vector<16xf32>
      %parallel_loop3A_133 = arith.constant -0.265165031 : f32
      %parallel_loop3A_134 = vector.broadcast %parallel_loop3A_133 : f32 to vector<16xf32>
      %parallel_loop3A_135 = arith.maximumf %parallel_loop3A_132, %parallel_loop3A_134 : vector<16xf32>
      %parallel_loop3A_136 = arith.constant 0.265165031 : f32
      %parallel_loop3A_137 = vector.broadcast %parallel_loop3A_136 : f32 to vector<16xf32>
      %parallel_loop3A_138 = arith.minimumf %parallel_loop3A_135, %parallel_loop3A_137 : vector<16xf32>
      %parallel_loop3A_139 = arith.constant 28.2842712 : f32
      %parallel_loop3A_140 = vector.broadcast %parallel_loop3A_139 : f32 to vector<16xf32>
      %parallel_loop3A_141 = arith.mulf %parallel_loop3A_138, %parallel_loop3A_140 : vector<16xf32>
      %parallel_loop3A_142 = arith.constant 8.000000e+00 : f32
      %parallel_loop3A_143 = vector.broadcast %parallel_loop3A_142 : f32 to vector<16xf32>
      %parallel_loop3A_144 = arith.addf %parallel_loop3A_141, %parallel_loop3A_143 : vector<16xf32>
      %parallel_loop3A_145 = arith.fptosi %parallel_loop3A_144 : vector<16xf32> to vector<16xi32>
      %parallel_loop3A_146 = arith.constant 0 : i32
      %parallel_loop3A_147 = vector.broadcast %parallel_loop3A_146 : i32 to vector<16xi32>
      %parallel_loop3A_148 = arith.cmpi slt, %parallel_loop3A_145, %parallel_loop3A_147 : vector<16xi32>
      %parallel_loop3A_149 = arith.constant 16 : i32
      %parallel_loop3A_150 = vector.broadcast %parallel_loop3A_149 : i32 to vector<16xi32>
      %parallel_loop3A_151 = arith.addi %parallel_loop3A_145, %parallel_loop3A_150 : vector<16xi32>
      %parallel_loop3A_152 = arith.select %parallel_loop3A_148, %parallel_loop3A_151, %parallel_loop3A_145 : vector<16xi1>, vector<16xi32>
      %parallel_loop3A_153 = vector.shape_cast %parallel_loop3A_152 : vector<16xi32> to vector<16x1xi32>
      %parallel_loop3A_154 = vector.shape_cast %parallel_loop3A_153 : vector<16x1xi32> to vector<16xi32>
      %parallel_loop3A_155 = tpu.dynamic_gather %get3A_41[%parallel_loop3A_154] in [0] : vector<16xf32>, vector<16xi32> -> vector<16xf32>
      %parallel_loop3A_156 = arith.index_cast %parallel_loop3A_96 : i32 to index
      %parallel_loop3A_157 = arith.constant 16 : index
      %parallel_loop3A_158 = tpu.vector_load %arg4[%parallel_loop3A_156, %parallel_loop3A_157] {strides = array<i32>} : memref<256x128xf32, #tpu.memory_space<vmem>>, vector<1x16xf32>,
      %parallel_loop3A_159 = vector.shape_cast %parallel_loop3A_158 : vector<1x16xf32> to vector<16xf32>
      %parallel_loop3A_160 = vector.shape_cast %parallel_loop3A_155 : vector<16xf32> to vector<1x16xf32>
      tpu.vector_store %arg4[%parallel_loop3A_156, %parallel_loop3A_157], %parallel_loop3A_160 {strides = array<i32>} : memref<256x128xf32, #tpu.memory_space<vmem>>, vector<1x16xf32>,
      %parallel_loop3A_161 = arith.index_cast %parallel_loop3A_96 : i32 to index
      %parallel_loop3A_162 = arith.constant 32 : index
      %parallel_loop3A_163 = tpu.vector_load %arg4[%parallel_loop3A_161, %parallel_loop3A_162] {strides = array<i32>} : memref<256x128xf32, #tpu.memory_space<vmem>>, vector<1x16xf32>,
      %parallel_loop3A_164 = vector.shape_cast %parallel_loop3A_163 : vector<1x16xf32> to vector<16xf32>
      %parallel_loop3A_165 = arith.constant -0.265165031 : f32
      %parallel_loop3A_166 = vector.broadcast %parallel_loop3A_165 : f32 to vector<16xf32>
      %parallel_loop3A_167 = arith.maximumf %parallel_loop3A_164, %parallel_loop3A_166 : vector<16xf32>
      %parallel_loop3A_168 = arith.constant 0.265165031 : f32
      %parallel_loop3A_169 = vector.broadcast %parallel_loop3A_168 : f32 to vector<16xf32>
      %parallel_loop3A_170 = arith.minimumf %parallel_loop3A_167, %parallel_loop3A_169 : vector<16xf32>
      %parallel_loop3A_171 = arith.constant 28.2842712 : f32
      %parallel_loop3A_172 = vector.broadcast %parallel_loop3A_171 : f32 to vector<16xf32>
      %parallel_loop3A_173 = arith.mulf %parallel_loop3A_170, %parallel_loop3A_172 : vector<16xf32>
      %parallel_loop3A_174 = arith.constant 8.000000e+00 : f32
      %parallel_loop3A_175 = vector.broadcast %parallel_loop3A_174 : f32 to vector<16xf32>
      %parallel_loop3A_176 = arith.addf %parallel_loop3A_173, %parallel_loop3A_175 : vector<16xf32>
      %parallel_loop3A_177 = arith.fptosi %parallel_loop3A_176 : vector<16xf32> to vector<16xi32>
      %parallel_loop3A_178 = arith.constant 0 : i32
      %parallel_loop3A_179 = vector.broadcast %parallel_loop3A_178 : i32 to vector<16xi32>
      %parallel_loop3A_180 = arith.cmpi slt, %parallel_loop3A_177, %parallel_loop3A_179 : vector<16xi32>
      %parallel_loop3A_181 = arith.constant 16 : i32
      %parallel_loop3A_182 = vector.broadcast %parallel_loop3A_181 : i32 to vector<16xi32>
      %parallel_loop3A_183 = arith.addi %parallel_loop3A_177, %parallel_loop3A_182 : vector<16xi32>
      %parallel_loop3A_184 = arith.select %parallel_loop3A_180, %parallel_loop3A_183, %parallel_loop3A_177 : vector<16xi1>, vector<16xi32>
      %parallel_loop3A_185 = vector.shape_cast %parallel_loop3A_184 : vector<16xi32> to vector<16x1xi32>
      %parallel_loop3A_186 = vector.shape_cast %parallel_loop3A_185 : vector<16x1xi32> to vector<16xi32>
      %parallel_loop3A_187 = tpu.dynamic_gather %get3A_41[%parallel_loop3A_186] in [0] : vector<16xf32>, vector<16xi32> -> vector<16xf32>
      %parallel_loop3A_188 = arith.index_cast %parallel_loop3A_96 : i32 to index
      %parallel_loop3A_189 = arith.constant 32 : index
      %parallel_loop3A_190 = tpu.vector_load %arg4[%parallel_loop3A_188, %parallel_loop3A_189] {strides = array<i32>} : memref<256x128xf32, #tpu.memory_space<vmem>>, vector<1x16xf32>,
      %parallel_loop3A_191 = vector.shape_cast %parallel_loop3A_190 : vector<1x16xf32> to vector<16xf32>
      %parallel_loop3A_192 = vector.shape_cast %parallel_loop3A_187 : vector<16xf32> to vector<1x16xf32>
      tpu.vector_store %arg4[%parallel_loop3A_188, %parallel_loop3A_189], %parallel_loop3A_192 {strides = array<i32>} : memref<256x128xf32, #tpu.memory_space<vmem>>, vector<1x16xf32>,
      %parallel_loop3A_193 = arith.index_cast %parallel_loop3A_96 : i32 to index
      %parallel_loop3A_194 = arith.constant 48 : index
      %parallel_loop3A_195 = tpu.vector_load %arg4[%parallel_loop3A_193, %parallel_loop3A_194] {strides = array<i32>} : memref<256x128xf32, #tpu.memory_space<vmem>>, vector<1x16xf32>,
      %parallel_loop3A_196 = vector.shape_cast %parallel_loop3A_195 : vector<1x16xf32> to vector<16xf32>
      %parallel_loop3A_197 = arith.constant -0.265165031 : f32
      %parallel_loop3A_198 = vector.broadcast %parallel_loop3A_197 : f32 to vector<16xf32>
      %parallel_loop3A_199 = arith.maximumf %parallel_loop3A_196, %parallel_loop3A_198 : vector<16xf32>
      %parallel_loop3A_200 = arith.constant 0.265165031 : f32
      %parallel_loop3A_201 = vector.broadcast %parallel_loop3A_200 : f32 to vector<16xf32>
      %parallel_loop3A_202 = arith.minimumf %parallel_loop3A_199, %parallel_loop3A_201 : vector<16xf32>
      %parallel_loop3A_203 = arith.constant 28.2842712 : f32
      %parallel_loop3A_204 = vector.broadcast %parallel_loop3A_203 : f32 to vector<16xf32>
      %parallel_loop3A_205 = arith.mulf %parallel_loop3A_202, %parallel_loop3A_204 : vector<16xf32>
      %parallel_loop3A_206 = arith.constant 8.000000e+00 : f32
      %parallel_loop3A_207 = vector.broadcast %parallel_loop3A_206 : f32 to vector<16xf32>
      %parallel_loop3A_208 = arith.addf %parallel_loop3A_205, %parallel_loop3A_207 : vector<16xf32>
      %parallel_loop3A_209 = arith.fptosi %parallel_loop3A_208 : vector<16xf32> to vector<16xi32>
      %parallel_loop3A_210 = arith.constant 0 : i32
      %parallel_loop3A_211 = vector.broadcast %parallel_loop3A_210 : i32 to vector<16xi32>
      %parallel_loop3A_212 = arith.cmpi slt, %parallel_loop3A_209, %parallel_loop3A_211 : vector<16xi32>
      %parallel_loop3A_213 = arith.constant 16 : i32
      %parallel_loop3A_214 = vector.broadcast %parallel_loop3A_213 : i32 to vector<16xi32>
      %parallel_loop3A_215 = arith.addi %parallel_loop3A_209, %parallel_loop3A_214 : vector<16xi32>
      %parallel_loop3A_216 = arith.select %parallel_loop3A_212, %parallel_loop3A_215, %parallel_loop3A_209 : vector<16xi1>, vector<16xi32>
      %parallel_loop3A_217 = vector.shape_cast %parallel_loop3A_216 : vector<16xi32> to vector<16x1xi32>
      %parallel_loop3A_218 = vector.shape_cast %parallel_loop3A_217 : vector<16x1xi32> to vector<16xi32>
      %parallel_loop3A_219 = tpu.dynamic_gather %get3A_41[%parallel_loop3A_218] in [0] : vector<16xf32>, vector<16xi32> -> vector<16xf32>
      %parallel_loop3A_220 = arith.index_cast %parallel_loop3A_96 : i32 to index
      %parallel_loop3A_221 = arith.constant 48 : index
      %parallel_loop3A_222 = tpu.vector_load %arg4[%parallel_loop3A_220, %parallel_loop3A_221] {strides = array<i32>} : memref<256x128xf32, #tpu.memory_space<vmem>>, vector<1x16xf32>,
      %parallel_loop3A_223 = vector.shape_cast %parallel_loop3A_222 : vector<1x16xf32> to vector<16xf32>
      %parallel_loop3A_224 = vector.shape_cast %parallel_loop3A_219 : vector<16xf32> to vector<1x16xf32>
      tpu.vector_store %arg4[%parallel_loop3A_220, %parallel_loop3A_221], %parallel_loop3A_224 {strides = array<i32>} : memref<256x128xf32, #tpu.memory_space<vmem>>, vector<1x16xf32>,
      %parallel_loop3A_225 = arith.index_cast %parallel_loop3A_96 : i32 to index
      %parallel_loop3A_226 = arith.constant 64 : index
      %parallel_loop3A_227 = tpu.vector_load %arg4[%parallel_loop3A_225, %parallel_loop3A_226] {strides = array<i32>} : memref<256x128xf32, #tpu.memory_space<vmem>>, vector<1x16xf32>,
      %parallel_loop3A_228 = vector.shape_cast %parallel_loop3A_227 : vector<1x16xf32> to vector<16xf32>
      %parallel_loop3A_229 = arith.constant -0.265165031 : f32
      %parallel_loop3A_230 = vector.broadcast %parallel_loop3A_229 : f32 to vector<16xf32>
      %parallel_loop3A_231 = arith.maximumf %parallel_loop3A_228, %parallel_loop3A_230 : vector<16xf32>
      %parallel_loop3A_232 = arith.constant 0.265165031 : f32
      %parallel_loop3A_233 = vector.broadcast %parallel_loop3A_232 : f32 to vector<16xf32>
      %parallel_loop3A_234 = arith.minimumf %parallel_loop3A_231, %parallel_loop3A_233 : vector<16xf32>
      %parallel_loop3A_235 = arith.constant 28.2842712 : f32
      %parallel_loop3A_236 = vector.broadcast %parallel_loop3A_235 : f32 to vector<16xf32>
      %parallel_loop3A_237 = arith.mulf %parallel_loop3A_234, %parallel_loop3A_236 : vector<16xf32>
      %parallel_loop3A_238 = arith.constant 8.000000e+00 : f32
      %parallel_loop3A_239 = vector.broadcast %parallel_loop3A_238 : f32 to vector<16xf32>
      %parallel_loop3A_240 = arith.addf %parallel_loop3A_237, %parallel_loop3A_239 : vector<16xf32>
      %parallel_loop3A_241 = arith.fptosi %parallel_loop3A_240 : vector<16xf32> to vector<16xi32>
      %parallel_loop3A_242 = arith.constant 0 : i32
      %parallel_loop3A_243 = vector.broadcast %parallel_loop3A_242 : i32 to vector<16xi32>
      %parallel_loop3A_244 = arith.cmpi slt, %parallel_loop3A_241, %parallel_loop3A_243 : vector<16xi32>
      %parallel_loop3A_245 = arith.constant 16 : i32
      %parallel_loop3A_246 = vector.broadcast %parallel_loop3A_245 : i32 to vector<16xi32>
      %parallel_loop3A_247 = arith.addi %parallel_loop3A_241, %parallel_loop3A_246 : vector<16xi32>
      %parallel_loop3A_248 = arith.select %parallel_loop3A_244, %parallel_loop3A_247, %parallel_loop3A_241 : vector<16xi1>, vector<16xi32>
      %parallel_loop3A_249 = vector.shape_cast %parallel_loop3A_248 : vector<16xi32> to vector<16x1xi32>
      %parallel_loop3A_250 = vector.shape_cast %parallel_loop3A_249 : vector<16x1xi32> to vector<16xi32>
      %parallel_loop3A_251 = tpu.dynamic_gather %get3A_41[%parallel_loop3A_250] in [0] : vector<16xf32>, vector<16xi32> -> vector<16xf32>
      %parallel_loop3A_252 = arith.index_cast %parallel_loop3A_96 : i32 to index
      %parallel_loop3A_253 = arith.constant 64 : index
      %parallel_loop3A_254 = tpu.vector_load %arg4[%parallel_loop3A_252, %parallel_loop3A_253] {strides = array<i32>} : memref<256x128xf32, #tpu.memory_space<vmem>>, vector<1x16xf32>,
      %parallel_loop3A_255 = vector.shape_cast %parallel_loop3A_254 : vector<1x16xf32> to vector<16xf32>
      %parallel_loop3A_256 = vector.shape_cast %parallel_loop3A_251 : vector<16xf32> to vector<1x16xf32>
      tpu.vector_store %arg4[%parallel_loop3A_252, %parallel_loop3A_253], %parallel_loop3A_256 {strides = array<i32>} : memref<256x128xf32, #tpu.memory_space<vmem>>, vector<1x16xf32>,
      %parallel_loop3A_257 = arith.index_cast %parallel_loop3A_96 : i32 to index
      %parallel_loop3A_258 = arith.constant 80 : index
      %parallel_loop3A_259 = tpu.vector_load %arg4[%parallel_loop3A_257, %parallel_loop3A_258] {strides = array<i32>} : memref<256x128xf32, #tpu.memory_space<vmem>>, vector<1x16xf32>,
      %parallel_loop3A_260 = vector.shape_cast %parallel_loop3A_259 : vector<1x16xf32> to vector<16xf32>
      %parallel_loop3A_261 = arith.constant -0.265165031 : f32
      %parallel_loop3A_262 = vector.broadcast %parallel_loop3A_261 : f32 to vector<16xf32>
      %parallel_loop3A_263 = arith.maximumf %parallel_loop3A_260, %parallel_loop3A_262 : vector<16xf32>
      %parallel_loop3A_264 = arith.constant 0.265165031 : f32
      %parallel_loop3A_265 = vector.broadcast %parallel_loop3A_264 : f32 to vector<16xf32>
      %parallel_loop3A_266 = arith.minimumf %parallel_loop3A_263, %parallel_loop3A_265 : vector<16xf32>
      %parallel_loop3A_267 = arith.constant 28.2842712 : f32
      %parallel_loop3A_268 = vector.broadcast %parallel_loop3A_267 : f32 to vector<16xf32>
      %parallel_loop3A_269 = arith.mulf %parallel_loop3A_266, %parallel_loop3A_268 : vector<16xf32>
      %parallel_loop3A_270 = arith.constant 8.000000e+00 : f32
      %parallel_loop3A_271 = vector.broadcast %parallel_loop3A_270 : f32 to vector<16xf32>
      %parallel_loop3A_272 = arith.addf %parallel_loop3A_269, %parallel_loop3A_271 : vector<16xf32>
      %parallel_loop3A_273 = arith.fptosi %parallel_loop3A_272 : vector<16xf32> to vector<16xi32>
      %parallel_loop3A_274 = arith.constant 0 : i32
      %parallel_loop3A_275 = vector.broadcast %parallel_loop3A_274 : i32 to vector<16xi32>
      %parallel_loop3A_276 = arith.cmpi slt, %parallel_loop3A_273, %parallel_loop3A_275 : vector<16xi32>
      %parallel_loop3A_277 = arith.constant 16 : i32
      %parallel_loop3A_278 = vector.broadcast %parallel_loop3A_277 : i32 to vector<16xi32>
      %parallel_loop3A_279 = arith.addi %parallel_loop3A_273, %parallel_loop3A_278 : vector<16xi32>
      %parallel_loop3A_280 = arith.select %parallel_loop3A_276, %parallel_loop3A_279, %parallel_loop3A_273 : vector<16xi1>, vector<16xi32>
      %parallel_loop3A_281 = vector.shape_cast %parallel_loop3A_280 : vector<16xi32> to vector<16x1xi32>
      %parallel_loop3A_282 = vector.shape_cast %parallel_loop3A_281 : vector<16x1xi32> to vector<16xi32>
      %parallel_loop3A_283 = tpu.dynamic_gather %get3A_41[%parallel_loop3A_282] in [0] : vector<16xf32>, vector<16xi32> -> vector<16xf32>
      %parallel_loop3A_284 = arith.index_cast %parallel_loop3A_96 : i32 to index
      %parallel_loop3A_285 = arith.constant 80 : index
      %parallel_loop3A_286 = tpu.vector_load %arg4[%parallel_loop3A_284, %parallel_loop3A_285] {strides = array<i32>} : memref<256x128xf32, #tpu.memory_space<vmem>>, vector<1x16xf32>,
      %parallel_loop3A_287 = vector.shape_cast %parallel_loop3A_286 : vector<1x16xf32> to vector<16xf32>
      %parallel_loop3A_288 = vector.shape_cast %parallel_loop3A_283 : vector<16xf32> to vector<1x16xf32>
      tpu.vector_store %arg4[%parallel_loop3A_284, %parallel_loop3A_285], %parallel_loop3A_288 {strides = array<i32>} : memref<256x128xf32, #tpu.memory_space<vmem>>, vector<1x16xf32>,
      %parallel_loop3A_289 = arith.index_cast %parallel_loop3A_96 : i32 to index
      %parallel_loop3A_290 = arith.constant 96 : index
      %parallel_loop3A_291 = tpu.vector_load %arg4[%parallel_loop3A_289, %parallel_loop3A_290] {strides = array<i32>} : memref<256x128xf32, #tpu.memory_space<vmem>>, vector<1x16xf32>,
      %parallel_loop3A_292 = vector.shape_cast %parallel_loop3A_291 : vector<1x16xf32> to vector<16xf32>
      %parallel_loop3A_293 = arith.constant -0.265165031 : f32
      %parallel_loop3A_294 = vector.broadcast %parallel_loop3A_293 : f32 to vector<16xf32>
      %parallel_loop3A_295 = arith.maximumf %parallel_loop3A_292, %parallel_loop3A_294 : vector<16xf32>
      %parallel_loop3A_296 = arith.constant 0.265165031 : f32
      %parallel_loop3A_297 = vector.broadcast %parallel_loop3A_296 : f32 to vector<16xf32>
      %parallel_loop3A_298 = arith.minimumf %parallel_loop3A_295, %parallel_loop3A_297 : vector<16xf32>
      %parallel_loop3A_299 = arith.constant 28.2842712 : f32
      %parallel_loop3A_300 = vector.broadcast %parallel_loop3A_299 : f32 to vector<16xf32>
      %parallel_loop3A_301 = arith.mulf %parallel_loop3A_298, %parallel_loop3A_300 : vector<16xf32>
      %parallel_loop3A_302 = arith.constant 8.000000e+00 : f32
      %parallel_loop3A_303 = vector.broadcast %parallel_loop3A_302 : f32 to vector<16xf32>
      %parallel_loop3A_304 = arith.addf %parallel_loop3A_301, %parallel_loop3A_303 : vector<16xf32>
      %parallel_loop3A_305 = arith.fptosi %parallel_loop3A_304 : vector<16xf32> to vector<16xi32>
      %parallel_loop3A_306 = arith.constant 0 : i32
      %parallel_loop3A_307 = vector.broadcast %parallel_loop3A_306 : i32 to vector<16xi32>
      %parallel_loop3A_308 = arith.cmpi slt, %parallel_loop3A_305, %parallel_loop3A_307 : vector<16xi32>
      %parallel_loop3A_309 = arith.constant 16 : i32
      %parallel_loop3A_310 = vector.broadcast %parallel_loop3A_309 : i32 to vector<16xi32>
      %parallel_loop3A_311 = arith.addi %parallel_loop3A_305, %parallel_loop3A_310 : vector<16xi32>
      %parallel_loop3A_312 = arith.select %parallel_loop3A_308, %parallel_loop3A_311, %parallel_loop3A_305 : vector<16xi1>, vector<16xi32>
      %parallel_loop3A_313 = vector.shape_cast %parallel_loop3A_312 : vector<16xi32> to vector<16x1xi32>
      %parallel_loop3A_314 = vector.shape_cast %parallel_loop3A_313 : vector<16x1xi32> to vector<16xi32>
      %parallel_loop3A_315 = tpu.dynamic_gather %get3A_41[%parallel_loop3A_314] in [0] : vector<16xf32>, vector<16xi32> -> vector<16xf32>
      %parallel_loop3A_316 = arith.index_cast %parallel_loop3A_96 : i32 to index
      %parallel_loop3A_317 = arith.constant 96 : index
      %parallel_loop3A_318 = tpu.vector_load %arg4[%parallel_loop3A_316, %parallel_loop3A_317] {strides = array<i32>} : memref<256x128xf32, #tpu.memory_space<vmem>>, vector<1x16xf32>,
      %parallel_loop3A_319 = vector.shape_cast %parallel_loop3A_318 : vector<1x16xf32> to vector<16xf32>
      %parallel_loop3A_320 = vector.shape_cast %parallel_loop3A_315 : vector<16xf32> to vector<1x16xf32>
      tpu.vector_store %arg4[%parallel_loop3A_316, %parallel_loop3A_317], %parallel_loop3A_320 {strides = array<i32>} : memref<256x128xf32, #tpu.memory_space<vmem>>, vector<1x16xf32>,
      %parallel_loop3A_321 = arith.index_cast %parallel_loop3A_96 : i32 to index
      %parallel_loop3A_322 = arith.constant 112 : index
      %parallel_loop3A_323 = tpu.vector_load %arg4[%parallel_loop3A_321, %parallel_loop3A_322] {strides = array<i32>} : memref<256x128xf32, #tpu.memory_space<vmem>>, vector<1x16xf32>,
      %parallel_loop3A_324 = vector.shape_cast %parallel_loop3A_323 : vector<1x16xf32> to vector<16xf32>
      %parallel_loop3A_325 = arith.constant -0.265165031 : f32
      %parallel_loop3A_326 = vector.broadcast %parallel_loop3A_325 : f32 to vector<16xf32>
      %parallel_loop3A_327 = arith.maximumf %parallel_loop3A_324, %parallel_loop3A_326 : vector<16xf32>
      %parallel_loop3A_328 = arith.constant 0.265165031 : f32
      %parallel_loop3A_329 = vector.broadcast %parallel_loop3A_328 : f32 to vector<16xf32>
      %parallel_loop3A_330 = arith.minimumf %parallel_loop3A_327, %parallel_loop3A_329 : vector<16xf32>
      %parallel_loop3A_331 = arith.constant 28.2842712 : f32
      %parallel_loop3A_332 = vector.broadcast %parallel_loop3A_331 : f32 to vector<16xf32>
      %parallel_loop3A_333 = arith.mulf %parallel_loop3A_330, %parallel_loop3A_332 : vector<16xf32>
      %parallel_loop3A_334 = arith.constant 8.000000e+00 : f32
      %parallel_loop3A_335 = vector.broadcast %parallel_loop3A_334 : f32 to vector<16xf32>
      %parallel_loop3A_336 = arith.addf %parallel_loop3A_333, %parallel_loop3A_335 : vector<16xf32>
      %parallel_loop3A_337 = arith.fptosi %parallel_loop3A_336 : vector<16xf32> to vector<16xi32>
      %parallel_loop3A_338 = arith.constant 0 : i32
      %parallel_loop3A_339 = vector.broadcast %parallel_loop3A_338 : i32 to vector<16xi32>
      %parallel_loop3A_340 = arith.cmpi slt, %parallel_loop3A_337, %parallel_loop3A_339 : vector<16xi32>
      %parallel_loop3A_341 = arith.constant 16 : i32
      %parallel_loop3A_342 = vector.broadcast %parallel_loop3A_341 : i32 to vector<16xi32>
      %parallel_loop3A_343 = arith.addi %parallel_loop3A_337, %parallel_loop3A_342 : vector<16xi32>
      %parallel_loop3A_344 = arith.select %parallel_loop3A_340, %parallel_loop3A_343, %parallel_loop3A_337 : vector<16xi1>, vector<16xi32>
      %parallel_loop3A_345 = vector.shape_cast %parallel_loop3A_344 : vector<16xi32> to vector<16x1xi32>
      %parallel_loop3A_346 = vector.shape_cast %parallel_loop3A_345 : vector<16x1xi32> to vector<16xi32>
      %parallel_loop3A_347 = tpu.dynamic_gather %get3A_41[%parallel_loop3A_346] in [0] : vector<16xf32>, vector<16xi32> -> vector<16xf32>
      %parallel_loop3A_348 = arith.index_cast %parallel_loop3A_96 : i32 to index
      %parallel_loop3A_349 = arith.constant 112 : index
      %parallel_loop3A_350 = tpu.vector_load %arg4[%parallel_loop3A_348, %parallel_loop3A_349] {strides = array<i32>} : memref<256x128xf32, #tpu.memory_space<vmem>>, vector<1x16xf32>,
      %parallel_loop3A_351 = vector.shape_cast %parallel_loop3A_350 : vector<1x16xf32> to vector<16xf32>
      %parallel_loop3A_352 = vector.shape_cast %parallel_loop3A_347 : vector<16xf32> to vector<1x16xf32>
      tpu.vector_store %arg4[%parallel_loop3A_348, %parallel_loop3A_349], %parallel_loop3A_352 {strides = array<i32>} : memref<256x128xf32, #tpu.memory_space<vmem>>, vector<1x16xf32>,
    } {sc.loop_unroll_factor = 4 : i64, sc.parallel_access}
    %mul3A_44 = arith.constant 256 : i32
    %mul3A_45 = arith.muli %add3A_22, %mul3A_44 : i32
    %add3A_46 = arith.addi %mul3A_2, %mul3A_45 : i32
    %dma_start3A_47 = arith.constant 0 : i32
    %dma_start3A_48 = tpu.memref_slice %arg3[%add3A_46, %dma_start3A_47] : memref<16384x128xf32, #tpu.memory_space<hbm>> -> memref<256x128xf32, #tpu.memory_space<hbm>>
    %dma_start3A_49 = arith.constant 0 : i32
    %dma_start3A_50 = tpu.memref_slice %arg3[%add3A_46, %dma_start3A_49] : memref<16384x128xf32, #tpu.memory_space<hbm>> -> memref<256x128xf32, #tpu.memory_space<hbm>>
    tpu.enqueue_dma source(%arg4 : memref<256x128xf32, #tpu.memory_space<vmem>>) target(%dma_start3A_50 : memref<256x128xf32, #tpu.memory_space<hbm>>) target_semaphore(%arg9 : memref<!tpu.dma_semaphore, #tpu.memory_space<semaphore_mem>>)
    %mul3A_51 = arith.constant 2 : i32
    %mul3A_52 = arith.muli %scan3A_18, %mul3A_51 : i32
    %add3A_53 = arith.constant 1 : i32
    %add3A_54 = arith.addi %mul3A_52, %add3A_53 : i32
    %ge3A_55 = arith.constant 1 : i32
    %ge3A_56 = arith.cmpi sge, %add3A_54, %ge3A_55 : i32
    %convert_element_type3A_57 = arith.extui %ge3A_56 : i1 to i32
    %cond3A_58 = arith.constant 0 : i32
    %cond3A_59 = arith.cmpi ne, %convert_element_type3A_57, %cond3A_58 : i32
    scf.if %cond3A_59 {
      %sub3A_96 = arith.constant 1 : i32
      %sub3A_97 = arith.subi %add3A_54, %sub3A_96 : i32
      %mul3A_98 = arith.constant 256 : i32
      %mul3A_99 = arith.muli %sub3A_97, %mul3A_98 : i32
      %add3A_100 = arith.addi %mul3A_2, %mul3A_99 : i32
      %dma_wait3A_101 = arith.constant 0 : i32
      %dma_wait3A_102 = tpu.memref_slice %arg3[%add3A_100, %dma_wait3A_101] : memref<16384x128xf32, #tpu.memory_space<hbm>> -> memref<256x128xf32, #tpu.memory_space<hbm>>
      %dma_wait3A_103 = arith.constant 0 : i32
      %dma_wait3A_104 = tpu.memref_slice %arg3[%add3A_100, %dma_wait3A_103] : memref<16384x128xf32, #tpu.memory_space<hbm>> -> memref<256x128xf32, #tpu.memory_space<hbm>>
      tpu.wait_dma2 semaphore(%arg9 : memref<!tpu.dma_semaphore, #tpu.memory_space<semaphore_mem>>) src(%arg4 : memref<256x128xf32, #tpu.memory_space<vmem>>) dst(%dma_wait3A_104 : memref<256x128xf32, #tpu.memory_space<hbm>>)
    } else {
    }
    %add3A_60 = arith.constant 1 : i32
    %add3A_61 = arith.addi %add3A_54, %add3A_60 : i32
    %lt3A_62 = arith.constant 2 : i32
    %lt3A_63 = arith.cmpi slt, %add3A_61, %lt3A_62 : i32
    %convert_element_type3A_64 = arith.extui %lt3A_63 : i1 to i32
    %cond3A_65 = arith.constant 0 : i32
    %cond3A_66 = arith.cmpi ne, %convert_element_type3A_64, %cond3A_65 : i32
    scf.if %cond3A_66 {
      %add3A_96 = arith.constant 1 : i32
      %add3A_97 = arith.addi %add3A_54, %add3A_96 : i32
      %add3A_98 = arith.constant 507904 : i32
      %add3A_99 = arith.addi %add3A_98, %mul3A_2 : i32
      %mul3A_100 = arith.constant 256 : i32
      %mul3A_101 = arith.muli %add3A_97, %mul3A_100 : i32
      %add3A_102 = arith.addi %add3A_99, %mul3A_101 : i32
      %dma_start3A_103 = arith.constant 0 : i32
      %dma_start3A_104 = tpu.memref_slice %arg2[%add3A_102, %dma_start3A_103] : memref<524288x128xf32, #tpu.memory_space<hbm>> -> memref<256x128xf32, #tpu.memory_space<hbm>>
      %dma_start3A_105 = arith.constant 0 : i32
      %dma_start3A_106 = tpu.memref_slice %arg2[%add3A_102, %dma_start3A_105] : memref<524288x128xf32, #tpu.memory_space<hbm>> -> memref<256x128xf32, #tpu.memory_space<hbm>>
      tpu.enqueue_dma source(%dma_start3A_106 : memref<256x128xf32, #tpu.memory_space<hbm>>) target(%arg4 : memref<256x128xf32, #tpu.memory_space<vmem>>) target_semaphore(%arg7 : memref<!tpu.dma_semaphore, #tpu.memory_space<semaphore_mem>>)
    } else {
    }
    %add3A_67 = arith.constant 507904 : i32
    %add3A_68 = arith.addi %add3A_67, %mul3A_2 : i32
    %mul3A_69 = arith.constant 256 : i32
    %mul3A_70 = arith.muli %add3A_54, %mul3A_69 : i32
    %add3A_71 = arith.addi %add3A_68, %mul3A_70 : i32
    %dma_wait3A_72 = arith.constant 0 : i32
    %dma_wait3A_73 = tpu.memref_slice %arg2[%add3A_71, %dma_wait3A_72] : memref<524288x128xf32, #tpu.memory_space<hbm>> -> memref<256x128xf32, #tpu.memory_space<hbm>>
    %dma_wait3A_74 = arith.constant 0 : i32
    %dma_wait3A_75 = tpu.memref_slice %arg2[%add3A_71, %dma_wait3A_74] : memref<524288x128xf32, #tpu.memory_space<hbm>> -> memref<256x128xf32, #tpu.memory_space<hbm>>
    tpu.wait_dma2 semaphore(%arg8 : memref<!tpu.dma_semaphore, #tpu.memory_space<semaphore_mem>>) src(%dma_wait3A_75 : memref<256x128xf32, #tpu.memory_space<hbm>>) dst(%arg5 : memref<256x128xf32, #tpu.memory_space<vmem>>)
    %get3A_76 = arith.constant 0 : index
    %get3A_77 = tpu.vector_load %arg6[%get3A_76] {strides = array<i32>} : memref<16xf32, #tpu.memory_space<vmem>>, vector<16xf32>,
    %get3A_78 = vector.shape_cast %get3A_77 : vector<16xf32> to vector<16xf32>
    %parallel_loop3A_79 = arith.constant 0 : i32
    %parallel_loop3A_80 = arith.constant 256 : i32
    %parallel_loop3A_81 = arith.constant 1 : i32
    scf.for %parallel_loop3A_96 = %parallel_loop3A_79 to %parallel_loop3A_80 step %parallel_loop3A_81  : i32 {
      %parallel_loop3A_97 = arith.index_cast %parallel_loop3A_96 : i32 to index
      %parallel_loop3A_98 = arith.constant 0 : index
      %parallel_loop3A_99 = tpu.vector_load %arg5[%parallel_loop3A_97, %parallel_loop3A_98] {strides = array<i32>} : memref<256x128xf32, #tpu.memory_space<vmem>>, vector<1x16xf32>,
      %parallel_loop3A_100 = vector.shape_cast %parallel_loop3A_99 : vector<1x16xf32> to vector<16xf32>
      %parallel_loop3A_101 = arith.constant -0.265165031 : f32
      %parallel_loop3A_102 = vector.broadcast %parallel_loop3A_101 : f32 to vector<16xf32>
      %parallel_loop3A_103 = arith.maximumf %parallel_loop3A_100, %parallel_loop3A_102 : vector<16xf32>
      %parallel_loop3A_104 = arith.constant 0.265165031 : f32
      %parallel_loop3A_105 = vector.broadcast %parallel_loop3A_104 : f32 to vector<16xf32>
      %parallel_loop3A_106 = arith.minimumf %parallel_loop3A_103, %parallel_loop3A_105 : vector<16xf32>
      %parallel_loop3A_107 = arith.constant 28.2842712 : f32
      %parallel_loop3A_108 = vector.broadcast %parallel_loop3A_107 : f32 to vector<16xf32>
      %parallel_loop3A_109 = arith.mulf %parallel_loop3A_106, %parallel_loop3A_108 : vector<16xf32>
      %parallel_loop3A_110 = arith.constant 8.000000e+00 : f32
      %parallel_loop3A_111 = vector.broadcast %parallel_loop3A_110 : f32 to vector<16xf32>
      %parallel_loop3A_112 = arith.addf %parallel_loop3A_109, %parallel_loop3A_111 : vector<16xf32>
      %parallel_loop3A_113 = arith.fptosi %parallel_loop3A_112 : vector<16xf32> to vector<16xi32>
      %parallel_loop3A_114 = arith.constant 0 : i32
      %parallel_loop3A_115 = vector.broadcast %parallel_loop3A_114 : i32 to vector<16xi32>
      %parallel_loop3A_116 = arith.cmpi slt, %parallel_loop3A_113, %parallel_loop3A_115 : vector<16xi32>
      %parallel_loop3A_117 = arith.constant 16 : i32
      %parallel_loop3A_118 = vector.broadcast %parallel_loop3A_117 : i32 to vector<16xi32>
      %parallel_loop3A_119 = arith.addi %parallel_loop3A_113, %parallel_loop3A_118 : vector<16xi32>
      %parallel_loop3A_120 = arith.select %parallel_loop3A_116, %parallel_loop3A_119, %parallel_loop3A_113 : vector<16xi1>, vector<16xi32>
      %parallel_loop3A_121 = vector.shape_cast %parallel_loop3A_120 : vector<16xi32> to vector<16x1xi32>
      %parallel_loop3A_122 = vector.shape_cast %parallel_loop3A_121 : vector<16x1xi32> to vector<16xi32>
      %parallel_loop3A_123 = tpu.dynamic_gather %get3A_78[%parallel_loop3A_122] in [0] : vector<16xf32>, vector<16xi32> -> vector<16xf32>
      %parallel_loop3A_124 = arith.index_cast %parallel_loop3A_96 : i32 to index
      %parallel_loop3A_125 = arith.constant 0 : index
      %parallel_loop3A_126 = tpu.vector_load %arg5[%parallel_loop3A_124, %parallel_loop3A_125] {strides = array<i32>} : memref<256x128xf32, #tpu.memory_space<vmem>>, vector<1x16xf32>,
      %parallel_loop3A_127 = vector.shape_cast %parallel_loop3A_126 : vector<1x16xf32> to vector<16xf32>
      %parallel_loop3A_128 = vector.shape_cast %parallel_loop3A_123 : vector<16xf32> to vector<1x16xf32>
      tpu.vector_store %arg5[%parallel_loop3A_124, %parallel_loop3A_125], %parallel_loop3A_128 {strides = array<i32>} : memref<256x128xf32, #tpu.memory_space<vmem>>, vector<1x16xf32>,
      %parallel_loop3A_129 = arith.index_cast %parallel_loop3A_96 : i32 to index
      %parallel_loop3A_130 = arith.constant 16 : index
      %parallel_loop3A_131 = tpu.vector_load %arg5[%parallel_loop3A_129, %parallel_loop3A_130] {strides = array<i32>} : memref<256x128xf32, #tpu.memory_space<vmem>>, vector<1x16xf32>,
      %parallel_loop3A_132 = vector.shape_cast %parallel_loop3A_131 : vector<1x16xf32> to vector<16xf32>
      %parallel_loop3A_133 = arith.constant -0.265165031 : f32
      %parallel_loop3A_134 = vector.broadcast %parallel_loop3A_133 : f32 to vector<16xf32>
      %parallel_loop3A_135 = arith.maximumf %parallel_loop3A_132, %parallel_loop3A_134 : vector<16xf32>
      %parallel_loop3A_136 = arith.constant 0.265165031 : f32
      %parallel_loop3A_137 = vector.broadcast %parallel_loop3A_136 : f32 to vector<16xf32>
      %parallel_loop3A_138 = arith.minimumf %parallel_loop3A_135, %parallel_loop3A_137 : vector<16xf32>
      %parallel_loop3A_139 = arith.constant 28.2842712 : f32
      %parallel_loop3A_140 = vector.broadcast %parallel_loop3A_139 : f32 to vector<16xf32>
      %parallel_loop3A_141 = arith.mulf %parallel_loop3A_138, %parallel_loop3A_140 : vector<16xf32>
      %parallel_loop3A_142 = arith.constant 8.000000e+00 : f32
      %parallel_loop3A_143 = vector.broadcast %parallel_loop3A_142 : f32 to vector<16xf32>
      %parallel_loop3A_144 = arith.addf %parallel_loop3A_141, %parallel_loop3A_143 : vector<16xf32>
      %parallel_loop3A_145 = arith.fptosi %parallel_loop3A_144 : vector<16xf32> to vector<16xi32>
      %parallel_loop3A_146 = arith.constant 0 : i32
      %parallel_loop3A_147 = vector.broadcast %parallel_loop3A_146 : i32 to vector<16xi32>
      %parallel_loop3A_148 = arith.cmpi slt, %parallel_loop3A_145, %parallel_loop3A_147 : vector<16xi32>
      %parallel_loop3A_149 = arith.constant 16 : i32
      %parallel_loop3A_150 = vector.broadcast %parallel_loop3A_149 : i32 to vector<16xi32>
      %parallel_loop3A_151 = arith.addi %parallel_loop3A_145, %parallel_loop3A_150 : vector<16xi32>
      %parallel_loop3A_152 = arith.select %parallel_loop3A_148, %parallel_loop3A_151, %parallel_loop3A_145 : vector<16xi1>, vector<16xi32>
      %parallel_loop3A_153 = vector.shape_cast %parallel_loop3A_152 : vector<16xi32> to vector<16x1xi32>
      %parallel_loop3A_154 = vector.shape_cast %parallel_loop3A_153 : vector<16x1xi32> to vector<16xi32>
      %parallel_loop3A_155 = tpu.dynamic_gather %get3A_78[%parallel_loop3A_154] in [0] : vector<16xf32>, vector<16xi32> -> vector<16xf32>
      %parallel_loop3A_156 = arith.index_cast %parallel_loop3A_96 : i32 to index
      %parallel_loop3A_157 = arith.constant 16 : index
      %parallel_loop3A_158 = tpu.vector_load %arg5[%parallel_loop3A_156, %parallel_loop3A_157] {strides = array<i32>} : memref<256x128xf32, #tpu.memory_space<vmem>>, vector<1x16xf32>,
      %parallel_loop3A_159 = vector.shape_cast %parallel_loop3A_158 : vector<1x16xf32> to vector<16xf32>
      %parallel_loop3A_160 = vector.shape_cast %parallel_loop3A_155 : vector<16xf32> to vector<1x16xf32>
      tpu.vector_store %arg5[%parallel_loop3A_156, %parallel_loop3A_157], %parallel_loop3A_160 {strides = array<i32>} : memref<256x128xf32, #tpu.memory_space<vmem>>, vector<1x16xf32>,
      %parallel_loop3A_161 = arith.index_cast %parallel_loop3A_96 : i32 to index
      %parallel_loop3A_162 = arith.constant 32 : index
      %parallel_loop3A_163 = tpu.vector_load %arg5[%parallel_loop3A_161, %parallel_loop3A_162] {strides = array<i32>} : memref<256x128xf32, #tpu.memory_space<vmem>>, vector<1x16xf32>,
      %parallel_loop3A_164 = vector.shape_cast %parallel_loop3A_163 : vector<1x16xf32> to vector<16xf32>
      %parallel_loop3A_165 = arith.constant -0.265165031 : f32
      %parallel_loop3A_166 = vector.broadcast %parallel_loop3A_165 : f32 to vector<16xf32>
      %parallel_loop3A_167 = arith.maximumf %parallel_loop3A_164, %parallel_loop3A_166 : vector<16xf32>
      %parallel_loop3A_168 = arith.constant 0.265165031 : f32
      %parallel_loop3A_169 = vector.broadcast %parallel_loop3A_168 : f32 to vector<16xf32>
      %parallel_loop3A_170 = arith.minimumf %parallel_loop3A_167, %parallel_loop3A_169 : vector<16xf32>
      %parallel_loop3A_171 = arith.constant 28.2842712 : f32
      %parallel_loop3A_172 = vector.broadcast %parallel_loop3A_171 : f32 to vector<16xf32>
      %parallel_loop3A_173 = arith.mulf %parallel_loop3A_170, %parallel_loop3A_172 : vector<16xf32>
      %parallel_loop3A_174 = arith.constant 8.000000e+00 : f32
      %parallel_loop3A_175 = vector.broadcast %parallel_loop3A_174 : f32 to vector<16xf32>
      %parallel_loop3A_176 = arith.addf %parallel_loop3A_173, %parallel_loop3A_175 : vector<16xf32>
      %parallel_loop3A_177 = arith.fptosi %parallel_loop3A_176 : vector<16xf32> to vector<16xi32>
      %parallel_loop3A_178 = arith.constant 0 : i32
      %parallel_loop3A_179 = vector.broadcast %parallel_loop3A_178 : i32 to vector<16xi32>
      %parallel_loop3A_180 = arith.cmpi slt, %parallel_loop3A_177, %parallel_loop3A_179 : vector<16xi32>
      %parallel_loop3A_181 = arith.constant 16 : i32
      %parallel_loop3A_182 = vector.broadcast %parallel_loop3A_181 : i32 to vector<16xi32>
      %parallel_loop3A_183 = arith.addi %parallel_loop3A_177, %parallel_loop3A_182 : vector<16xi32>
      %parallel_loop3A_184 = arith.select %parallel_loop3A_180, %parallel_loop3A_183, %parallel_loop3A_177 : vector<16xi1>, vector<16xi32>
      %parallel_loop3A_185 = vector.shape_cast %parallel_loop3A_184 : vector<16xi32> to vector<16x1xi32>
      %parallel_loop3A_186 = vector.shape_cast %parallel_loop3A_185 : vector<16x1xi32> to vector<16xi32>
      %parallel_loop3A_187 = tpu.dynamic_gather %get3A_78[%parallel_loop3A_186] in [0] : vector<16xf32>, vector<16xi32> -> vector<16xf32>
      %parallel_loop3A_188 = arith.index_cast %parallel_loop3A_96 : i32 to index
      %parallel_loop3A_189 = arith.constant 32 : index
      %parallel_loop3A_190 = tpu.vector_load %arg5[%parallel_loop3A_188, %parallel_loop3A_189] {strides = array<i32>} : memref<256x128xf32, #tpu.memory_space<vmem>>, vector<1x16xf32>,
      %parallel_loop3A_191 = vector.shape_cast %parallel_loop3A_190 : vector<1x16xf32> to vector<16xf32>
      %parallel_loop3A_192 = vector.shape_cast %parallel_loop3A_187 : vector<16xf32> to vector<1x16xf32>
      tpu.vector_store %arg5[%parallel_loop3A_188, %parallel_loop3A_189], %parallel_loop3A_192 {strides = array<i32>} : memref<256x128xf32, #tpu.memory_space<vmem>>, vector<1x16xf32>,
      %parallel_loop3A_193 = arith.index_cast %parallel_loop3A_96 : i32 to index
      %parallel_loop3A_194 = arith.constant 48 : index
      %parallel_loop3A_195 = tpu.vector_load %arg5[%parallel_loop3A_193, %parallel_loop3A_194] {strides = array<i32>} : memref<256x128xf32, #tpu.memory_space<vmem>>, vector<1x16xf32>,
      %parallel_loop3A_196 = vector.shape_cast %parallel_loop3A_195 : vector<1x16xf32> to vector<16xf32>
      %parallel_loop3A_197 = arith.constant -0.265165031 : f32
      %parallel_loop3A_198 = vector.broadcast %parallel_loop3A_197 : f32 to vector<16xf32>
      %parallel_loop3A_199 = arith.maximumf %parallel_loop3A_196, %parallel_loop3A_198 : vector<16xf32>
      %parallel_loop3A_200 = arith.constant 0.265165031 : f32
      %parallel_loop3A_201 = vector.broadcast %parallel_loop3A_200 : f32 to vector<16xf32>
      %parallel_loop3A_202 = arith.minimumf %parallel_loop3A_199, %parallel_loop3A_201 : vector<16xf32>
      %parallel_loop3A_203 = arith.constant 28.2842712 : f32
      %parallel_loop3A_204 = vector.broadcast %parallel_loop3A_203 : f32 to vector<16xf32>
      %parallel_loop3A_205 = arith.mulf %parallel_loop3A_202, %parallel_loop3A_204 : vector<16xf32>
      %parallel_loop3A_206 = arith.constant 8.000000e+00 : f32
      %parallel_loop3A_207 = vector.broadcast %parallel_loop3A_206 : f32 to vector<16xf32>
      %parallel_loop3A_208 = arith.addf %parallel_loop3A_205, %parallel_loop3A_207 : vector<16xf32>
      %parallel_loop3A_209 = arith.fptosi %parallel_loop3A_208 : vector<16xf32> to vector<16xi32>
      %parallel_loop3A_210 = arith.constant 0 : i32
      %parallel_loop3A_211 = vector.broadcast %parallel_loop3A_210 : i32 to vector<16xi32>
      %parallel_loop3A_212 = arith.cmpi slt, %parallel_loop3A_209, %parallel_loop3A_211 : vector<16xi32>
      %parallel_loop3A_213 = arith.constant 16 : i32
      %parallel_loop3A_214 = vector.broadcast %parallel_loop3A_213 : i32 to vector<16xi32>
      %parallel_loop3A_215 = arith.addi %parallel_loop3A_209, %parallel_loop3A_214 : vector<16xi32>
      %parallel_loop3A_216 = arith.select %parallel_loop3A_212, %parallel_loop3A_215, %parallel_loop3A_209 : vector<16xi1>, vector<16xi32>
      %parallel_loop3A_217 = vector.shape_cast %parallel_loop3A_216 : vector<16xi32> to vector<16x1xi32>
      %parallel_loop3A_218 = vector.shape_cast %parallel_loop3A_217 : vector<16x1xi32> to vector<16xi32>
      %parallel_loop3A_219 = tpu.dynamic_gather %get3A_78[%parallel_loop3A_218] in [0] : vector<16xf32>, vector<16xi32> -> vector<16xf32>
      %parallel_loop3A_220 = arith.index_cast %parallel_loop3A_96 : i32 to index
      %parallel_loop3A_221 = arith.constant 48 : index
      %parallel_loop3A_222 = tpu.vector_load %arg5[%parallel_loop3A_220, %parallel_loop3A_221] {strides = array<i32>} : memref<256x128xf32, #tpu.memory_space<vmem>>, vector<1x16xf32>,
      %parallel_loop3A_223 = vector.shape_cast %parallel_loop3A_222 : vector<1x16xf32> to vector<16xf32>
      %parallel_loop3A_224 = vector.shape_cast %parallel_loop3A_219 : vector<16xf32> to vector<1x16xf32>
      tpu.vector_store %arg5[%parallel_loop3A_220, %parallel_loop3A_221], %parallel_loop3A_224 {strides = array<i32>} : memref<256x128xf32, #tpu.memory_space<vmem>>, vector<1x16xf32>,
      %parallel_loop3A_225 = arith.index_cast %parallel_loop3A_96 : i32 to index
      %parallel_loop3A_226 = arith.constant 64 : index
      %parallel_loop3A_227 = tpu.vector_load %arg5[%parallel_loop3A_225, %parallel_loop3A_226] {strides = array<i32>} : memref<256x128xf32, #tpu.memory_space<vmem>>, vector<1x16xf32>,
      %parallel_loop3A_228 = vector.shape_cast %parallel_loop3A_227 : vector<1x16xf32> to vector<16xf32>
      %parallel_loop3A_229 = arith.constant -0.265165031 : f32
      %parallel_loop3A_230 = vector.broadcast %parallel_loop3A_229 : f32 to vector<16xf32>
      %parallel_loop3A_231 = arith.maximumf %parallel_loop3A_228, %parallel_loop3A_230 : vector<16xf32>
      %parallel_loop3A_232 = arith.constant 0.265165031 : f32
      %parallel_loop3A_233 = vector.broadcast %parallel_loop3A_232 : f32 to vector<16xf32>
      %parallel_loop3A_234 = arith.minimumf %parallel_loop3A_231, %parallel_loop3A_233 : vector<16xf32>
      %parallel_loop3A_235 = arith.constant 28.2842712 : f32
      %parallel_loop3A_236 = vector.broadcast %parallel_loop3A_235 : f32 to vector<16xf32>
      %parallel_loop3A_237 = arith.mulf %parallel_loop3A_234, %parallel_loop3A_236 : vector<16xf32>
      %parallel_loop3A_238 = arith.constant 8.000000e+00 : f32
      %parallel_loop3A_239 = vector.broadcast %parallel_loop3A_238 : f32 to vector<16xf32>
      %parallel_loop3A_240 = arith.addf %parallel_loop3A_237, %parallel_loop3A_239 : vector<16xf32>
      %parallel_loop3A_241 = arith.fptosi %parallel_loop3A_240 : vector<16xf32> to vector<16xi32>
      %parallel_loop3A_242 = arith.constant 0 : i32
      %parallel_loop3A_243 = vector.broadcast %parallel_loop3A_242 : i32 to vector<16xi32>
      %parallel_loop3A_244 = arith.cmpi slt, %parallel_loop3A_241, %parallel_loop3A_243 : vector<16xi32>
      %parallel_loop3A_245 = arith.constant 16 : i32
      %parallel_loop3A_246 = vector.broadcast %parallel_loop3A_245 : i32 to vector<16xi32>
      %parallel_loop3A_247 = arith.addi %parallel_loop3A_241, %parallel_loop3A_246 : vector<16xi32>
      %parallel_loop3A_248 = arith.select %parallel_loop3A_244, %parallel_loop3A_247, %parallel_loop3A_241 : vector<16xi1>, vector<16xi32>
      %parallel_loop3A_249 = vector.shape_cast %parallel_loop3A_248 : vector<16xi32> to vector<16x1xi32>
      %parallel_loop3A_250 = vector.shape_cast %parallel_loop3A_249 : vector<16x1xi32> to vector<16xi32>
      %parallel_loop3A_251 = tpu.dynamic_gather %get3A_78[%parallel_loop3A_250] in [0] : vector<16xf32>, vector<16xi32> -> vector<16xf32>
      %parallel_loop3A_252 = arith.index_cast %parallel_loop3A_96 : i32 to index
      %parallel_loop3A_253 = arith.constant 64 : index
      %parallel_loop3A_254 = tpu.vector_load %arg5[%parallel_loop3A_252, %parallel_loop3A_253] {strides = array<i32>} : memref<256x128xf32, #tpu.memory_space<vmem>>, vector<1x16xf32>,
      %parallel_loop3A_255 = vector.shape_cast %parallel_loop3A_254 : vector<1x16xf32> to vector<16xf32>
      %parallel_loop3A_256 = vector.shape_cast %parallel_loop3A_251 : vector<16xf32> to vector<1x16xf32>
      tpu.vector_store %arg5[%parallel_loop3A_252, %parallel_loop3A_253], %parallel_loop3A_256 {strides = array<i32>} : memref<256x128xf32, #tpu.memory_space<vmem>>, vector<1x16xf32>,
      %parallel_loop3A_257 = arith.index_cast %parallel_loop3A_96 : i32 to index
      %parallel_loop3A_258 = arith.constant 80 : index
      %parallel_loop3A_259 = tpu.vector_load %arg5[%parallel_loop3A_257, %parallel_loop3A_258] {strides = array<i32>} : memref<256x128xf32, #tpu.memory_space<vmem>>, vector<1x16xf32>,
      %parallel_loop3A_260 = vector.shape_cast %parallel_loop3A_259 : vector<1x16xf32> to vector<16xf32>
      %parallel_loop3A_261 = arith.constant -0.265165031 : f32
      %parallel_loop3A_262 = vector.broadcast %parallel_loop3A_261 : f32 to vector<16xf32>
      %parallel_loop3A_263 = arith.maximumf %parallel_loop3A_260, %parallel_loop3A_262 : vector<16xf32>
      %parallel_loop3A_264 = arith.constant 0.265165031 : f32
      %parallel_loop3A_265 = vector.broadcast %parallel_loop3A_264 : f32 to vector<16xf32>
      %parallel_loop3A_266 = arith.minimumf %parallel_loop3A_263, %parallel_loop3A_265 : vector<16xf32>
      %parallel_loop3A_267 = arith.constant 28.2842712 : f32
      %parallel_loop3A_268 = vector.broadcast %parallel_loop3A_267 : f32 to vector<16xf32>
      %parallel_loop3A_269 = arith.mulf %parallel_loop3A_266, %parallel_loop3A_268 : vector<16xf32>
      %parallel_loop3A_270 = arith.constant 8.000000e+00 : f32
      %parallel_loop3A_271 = vector.broadcast %parallel_loop3A_270 : f32 to vector<16xf32>
      %parallel_loop3A_272 = arith.addf %parallel_loop3A_269, %parallel_loop3A_271 : vector<16xf32>
      %parallel_loop3A_273 = arith.fptosi %parallel_loop3A_272 : vector<16xf32> to vector<16xi32>
      %parallel_loop3A_274 = arith.constant 0 : i32
      %parallel_loop3A_275 = vector.broadcast %parallel_loop3A_274 : i32 to vector<16xi32>
      %parallel_loop3A_276 = arith.cmpi slt, %parallel_loop3A_273, %parallel_loop3A_275 : vector<16xi32>
      %parallel_loop3A_277 = arith.constant 16 : i32
      %parallel_loop3A_278 = vector.broadcast %parallel_loop3A_277 : i32 to vector<16xi32>
      %parallel_loop3A_279 = arith.addi %parallel_loop3A_273, %parallel_loop3A_278 : vector<16xi32>
      %parallel_loop3A_280 = arith.select %parallel_loop3A_276, %parallel_loop3A_279, %parallel_loop3A_273 : vector<16xi1>, vector<16xi32>
      %parallel_loop3A_281 = vector.shape_cast %parallel_loop3A_280 : vector<16xi32> to vector<16x1xi32>
      %parallel_loop3A_282 = vector.shape_cast %parallel_loop3A_281 : vector<16x1xi32> to vector<16xi32>
      %parallel_loop3A_283 = tpu.dynamic_gather %get3A_78[%parallel_loop3A_282] in [0] : vector<16xf32>, vector<16xi32> -> vector<16xf32>
      %parallel_loop3A_284 = arith.index_cast %parallel_loop3A_96 : i32 to index
      %parallel_loop3A_285 = arith.constant 80 : index
      %parallel_loop3A_286 = tpu.vector_load %arg5[%parallel_loop3A_284, %parallel_loop3A_285] {strides = array<i32>} : memref<256x128xf32, #tpu.memory_space<vmem>>, vector<1x16xf32>,
      %parallel_loop3A_287 = vector.shape_cast %parallel_loop3A_286 : vector<1x16xf32> to vector<16xf32>
      %parallel_loop3A_288 = vector.shape_cast %parallel_loop3A_283 : vector<16xf32> to vector<1x16xf32>
      tpu.vector_store %arg5[%parallel_loop3A_284, %parallel_loop3A_285], %parallel_loop3A_288 {strides = array<i32>} : memref<256x128xf32, #tpu.memory_space<vmem>>, vector<1x16xf32>,
      %parallel_loop3A_289 = arith.index_cast %parallel_loop3A_96 : i32 to index
      %parallel_loop3A_290 = arith.constant 96 : index
      %parallel_loop3A_291 = tpu.vector_load %arg5[%parallel_loop3A_289, %parallel_loop3A_290] {strides = array<i32>} : memref<256x128xf32, #tpu.memory_space<vmem>>, vector<1x16xf32>,
      %parallel_loop3A_292 = vector.shape_cast %parallel_loop3A_291 : vector<1x16xf32> to vector<16xf32>
      %parallel_loop3A_293 = arith.constant -0.265165031 : f32
      %parallel_loop3A_294 = vector.broadcast %parallel_loop3A_293 : f32 to vector<16xf32>
      %parallel_loop3A_295 = arith.maximumf %parallel_loop3A_292, %parallel_loop3A_294 : vector<16xf32>
      %parallel_loop3A_296 = arith.constant 0.265165031 : f32
      %parallel_loop3A_297 = vector.broadcast %parallel_loop3A_296 : f32 to vector<16xf32>
      %parallel_loop3A_298 = arith.minimumf %parallel_loop3A_295, %parallel_loop3A_297 : vector<16xf32>
      %parallel_loop3A_299 = arith.constant 28.2842712 : f32
      %parallel_loop3A_300 = vector.broadcast %parallel_loop3A_299 : f32 to vector<16xf32>
      %parallel_loop3A_301 = arith.mulf %parallel_loop3A_298, %parallel_loop3A_300 : vector<16xf32>
      %parallel_loop3A_302 = arith.constant 8.000000e+00 : f32
      %parallel_loop3A_303 = vector.broadcast %parallel_loop3A_302 : f32 to vector<16xf32>
      %parallel_loop3A_304 = arith.addf %parallel_loop3A_301, %parallel_loop3A_303 : vector<16xf32>
      %parallel_loop3A_305 = arith.fptosi %parallel_loop3A_304 : vector<16xf32> to vector<16xi32>
      %parallel_loop3A_306 = arith.constant 0 : i32
      %parallel_loop3A_307 = vector.broadcast %parallel_loop3A_306 : i32 to vector<16xi32>
      %parallel_loop3A_308 = arith.cmpi slt, %parallel_loop3A_305, %parallel_loop3A_307 : vector<16xi32>
      %parallel_loop3A_309 = arith.constant 16 : i32
      %parallel_loop3A_310 = vector.broadcast %parallel_loop3A_309 : i32 to vector<16xi32>
      %parallel_loop3A_311 = arith.addi %parallel_loop3A_305, %parallel_loop3A_310 : vector<16xi32>
      %parallel_loop3A_312 = arith.select %parallel_loop3A_308, %parallel_loop3A_311, %parallel_loop3A_305 : vector<16xi1>, vector<16xi32>
      %parallel_loop3A_313 = vector.shape_cast %parallel_loop3A_312 : vector<16xi32> to vector<16x1xi32>
      %parallel_loop3A_314 = vector.shape_cast %parallel_loop3A_313 : vector<16x1xi32> to vector<16xi32>
      %parallel_loop3A_315 = tpu.dynamic_gather %get3A_78[%parallel_loop3A_314] in [0] : vector<16xf32>, vector<16xi32> -> vector<16xf32>
      %parallel_loop3A_316 = arith.index_cast %parallel_loop3A_96 : i32 to index
      %parallel_loop3A_317 = arith.constant 96 : index
      %parallel_loop3A_318 = tpu.vector_load %arg5[%parallel_loop3A_316, %parallel_loop3A_317] {strides = array<i32>} : memref<256x128xf32, #tpu.memory_space<vmem>>, vector<1x16xf32>,
      %parallel_loop3A_319 = vector.shape_cast %parallel_loop3A_318 : vector<1x16xf32> to vector<16xf32>
      %parallel_loop3A_320 = vector.shape_cast %parallel_loop3A_315 : vector<16xf32> to vector<1x16xf32>
      tpu.vector_store %arg5[%parallel_loop3A_316, %parallel_loop3A_317], %parallel_loop3A_320 {strides = array<i32>} : memref<256x128xf32, #tpu.memory_space<vmem>>, vector<1x16xf32>,
      %parallel_loop3A_321 = arith.index_cast %parallel_loop3A_96 : i32 to index
      %parallel_loop3A_322 = arith.constant 112 : index
      %parallel_loop3A_323 = tpu.vector_load %arg5[%parallel_loop3A_321, %parallel_loop3A_322] {strides = array<i32>} : memref<256x128xf32, #tpu.memory_space<vmem>>, vector<1x16xf32>,
      %parallel_loop3A_324 = vector.shape_cast %parallel_loop3A_323 : vector<1x16xf32> to vector<16xf32>
      %parallel_loop3A_325 = arith.constant -0.265165031 : f32
      %parallel_loop3A_326 = vector.broadcast %parallel_loop3A_325 : f32 to vector<16xf32>
      %parallel_loop3A_327 = arith.maximumf %parallel_loop3A_324, %parallel_loop3A_326 : vector<16xf32>
      %parallel_loop3A_328 = arith.constant 0.265165031 : f32
      %parallel_loop3A_329 = vector.broadcast %parallel_loop3A_328 : f32 to vector<16xf32>
      %parallel_loop3A_330 = arith.minimumf %parallel_loop3A_327, %parallel_loop3A_329 : vector<16xf32>
      %parallel_loop3A_331 = arith.constant 28.2842712 : f32
      %parallel_loop3A_332 = vector.broadcast %parallel_loop3A_331 : f32 to vector<16xf32>
      %parallel_loop3A_333 = arith.mulf %parallel_loop3A_330, %parallel_loop3A_332 : vector<16xf32>
      %parallel_loop3A_334 = arith.constant 8.000000e+00 : f32
      %parallel_loop3A_335 = vector.broadcast %parallel_loop3A_334 : f32 to vector<16xf32>
      %parallel_loop3A_336 = arith.addf %parallel_loop3A_333, %parallel_loop3A_335 : vector<16xf32>
      %parallel_loop3A_337 = arith.fptosi %parallel_loop3A_336 : vector<16xf32> to vector<16xi32>
      %parallel_loop3A_338 = arith.constant 0 : i32
      %parallel_loop3A_339 = vector.broadcast %parallel_loop3A_338 : i32 to vector<16xi32>
      %parallel_loop3A_340 = arith.cmpi slt, %parallel_loop3A_337, %parallel_loop3A_339 : vector<16xi32>
      %parallel_loop3A_341 = arith.constant 16 : i32
      %parallel_loop3A_342 = vector.broadcast %parallel_loop3A_341 : i32 to vector<16xi32>
      %parallel_loop3A_343 = arith.addi %parallel_loop3A_337, %parallel_loop3A_342 : vector<16xi32>
      %parallel_loop3A_344 = arith.select %parallel_loop3A_340, %parallel_loop3A_343, %parallel_loop3A_337 : vector<16xi1>, vector<16xi32>
      %parallel_loop3A_345 = vector.shape_cast %parallel_loop3A_344 : vector<16xi32> to vector<16x1xi32>
      %parallel_loop3A_346 = vector.shape_cast %parallel_loop3A_345 : vector<16x1xi32> to vector<16xi32>
      %parallel_loop3A_347 = tpu.dynamic_gather %get3A_78[%parallel_loop3A_346] in [0] : vector<16xf32>, vector<16xi32> -> vector<16xf32>
      %parallel_loop3A_348 = arith.index_cast %parallel_loop3A_96 : i32 to index
      %parallel_loop3A_349 = arith.constant 112 : index
      %parallel_loop3A_350 = tpu.vector_load %arg5[%parallel_loop3A_348, %parallel_loop3A_349] {strides = array<i32>} : memref<256x128xf32, #tpu.memory_space<vmem>>, vector<1x16xf32>,
      %parallel_loop3A_351 = vector.shape_cast %parallel_loop3A_350 : vector<1x16xf32> to vector<16xf32>
      %parallel_loop3A_352 = vector.shape_cast %parallel_loop3A_347 : vector<16xf32> to vector<1x16xf32>
      tpu.vector_store %arg5[%parallel_loop3A_348, %parallel_loop3A_349], %parallel_loop3A_352 {strides = array<i32>} : memref<256x128xf32, #tpu.memory_space<vmem>>, vector<1x16xf32>,
    } {sc.loop_unroll_factor = 4 : i64, sc.parallel_access}
    %mul3A_82 = arith.constant 256 : i32
    %mul3A_83 = arith.muli %add3A_54, %mul3A_82 : i32
    %add3A_84 = arith.addi %mul3A_2, %mul3A_83 : i32
    %dma_start3A_85 = arith.constant 0 : i32
    %dma_start3A_86 = tpu.memref_slice %arg3[%add3A_84, %dma_start3A_85] : memref<16384x128xf32, #tpu.memory_space<hbm>> -> memref<256x128xf32, #tpu.memory_space<hbm>>
    %dma_start3A_87 = arith.constant 0 : i32
    %dma_start3A_88 = tpu.memref_slice %arg3[%add3A_84, %dma_start3A_87] : memref<16384x128xf32, #tpu.memory_space<hbm>> -> memref<256x128xf32, #tpu.memory_space<hbm>>
    tpu.enqueue_dma source(%arg5 : memref<256x128xf32, #tpu.memory_space<vmem>>) target(%dma_start3A_88 : memref<256x128xf32, #tpu.memory_space<hbm>>) target_semaphore(%arg10 : memref<!tpu.dma_semaphore, #tpu.memory_space<semaphore_mem>>)
    %scan3A_89 = arith.constant 1 : i32
    %add3A_90 = arith.constant 256 : i32
    %add3A_91 = arith.addi %mul3A_2, %add3A_90 : i32
    %dma_wait3A_92 = arith.constant 0 : i32
    %dma_wait3A_93 = tpu.memref_slice %arg3[%add3A_91, %dma_wait3A_92] : memref<16384x128xf32, #tpu.memory_space<hbm>> -> memref<256x128xf32, #tpu.memory_space<hbm>>
    %dma_wait3A_94 = arith.constant 0 : i32
    %dma_wait3A_95 = tpu.memref_slice %arg3[%add3A_91, %dma_wait3A_94] : memref<16384x128xf32, #tpu.memory_space<hbm>> -> memref<256x128xf32, #tpu.memory_space<hbm>>
    tpu.wait_dma2 semaphore(%arg10 : memref<!tpu.dma_semaphore, #tpu.memory_space<semaphore_mem>>) src(%arg5 : memref<256x128xf32, #tpu.memory_space<vmem>>) dst(%dma_wait3A_95 : memref<256x128xf32, #tpu.memory_space<hbm>>)
    return
  }
}

module attributes {stable_mosaic.version = 14 : i64} {
  func.func @_tc_quant_body(%arg0: i32, %arg1: memref<16384x128xf32, #tpu.memory_space<vmem>>, %arg2: memref<16384x128xf32, #tpu.memory_space<vmem>>) attributes {dimension_semantics = [#tpu.dimension_semantics<arbitrary>], iteration_bounds = array<i64: 31>, scalar_prefetch = 0 : i64, scratch_operands = 0 : i64, tpu.core_type = #tpu.core_type<tc>, window_params = [{transform_indices = @transform_0, window_bounds = array<i64: 16384, 128>}, {transform_indices = @transform_1, window_bounds = array<i64: 16384, 128>}]} {
    %get3A = arith.constant 0 : index
    %get3A_0 = arith.constant 0 : index
    %get3A_1 = vector.load %arg1[%get3A, %get3A_0] : memref<16384x128xf32, #tpu.memory_space<vmem>>, vector<16384x128xf32>
    %jit3A = arith.constant -0.265165031 : f32
    %jit3A_2 = arith.constant 0.265165031 : f32
    %max3A = vector.broadcast %jit3A : f32 to vector<16384x128xf32>
    %max3A_3 = arith.maximumf %max3A, %get3A_1 : vector<16384x128xf32>
    %min3A = vector.broadcast %jit3A_2 : f32 to vector<16384x128xf32>
    %min3A_4 = arith.minimumf %min3A, %max3A_3 : vector<16384x128xf32>
    %mul3A = arith.constant 28.2842712 : f32
    %mul3A_5 = vector.broadcast %mul3A : f32 to vector<16384x128xf32>
    %mul3A_6 = arith.mulf %min3A_4, %mul3A_5 : vector<16384x128xf32>
    %add3A = arith.constant 7.500000e+00 : f32
    %add3A_7 = vector.broadcast %add3A : f32 to vector<16384x128xf32>
    %add3A_8 = arith.addf %mul3A_6, %add3A_7 : vector<16384x128xf32>
    %add3A_9 = arith.constant 5.000000e-01 : f32
    %add3A_10 = vector.broadcast %add3A_9 : f32 to vector<16384x128xf32>
    %add3A_11 = arith.addf %add3A_8, %add3A_10 : vector<16384x128xf32>
    %floor3A = math.floor %add3A_11 : vector<16384x128xf32>
    %sub3A = arith.constant 7.500000e+00 : f32
    %sub3A_12 = vector.broadcast %sub3A : f32 to vector<16384x128xf32>
    %sub3A_13 = arith.subf %floor3A, %sub3A_12 : vector<16384x128xf32>
    %mul3A_14 = arith.constant 0.0353553407 : f32
    %mul3A_15 = vector.broadcast %mul3A_14 : f32 to vector<16384x128xf32>
    %mul3A_16 = arith.mulf %sub3A_13, %mul3A_15 : vector<16384x128xf32>
    %swap3A = arith.constant 0 : index
    %swap3A_17 = arith.constant 0 : index
    %swap3A_18 = vector.load %arg2[%swap3A, %swap3A_17] : memref<16384x128xf32, #tpu.memory_space<vmem>>, vector<16384x128xf32>
    tpu.vector_store %arg2[%swap3A, %swap3A_17], %mul3A_16 {strides = array<i32>} : memref<16384x128xf32, #tpu.memory_space<vmem>>, vector<16384x128xf32>,
    return
  }
  func.func @transform_0(%arg0: i32) -> (i32, i32) {
    %c0_i32 = arith.constant 0 : i32
    %c0_i32_0 = arith.constant 0 : i32
    return %arg0, %c0_i32 : i32, i32
  }
  func.func @transform_1(%arg0: i32) -> (i32, i32) {
    %c0_i32 = arith.constant 0 : i32
    %c0_i32_0 = arith.constant 0 : i32
    return %arg0, %c0_i32 : i32, i32
  }
}

</mosaic_0001>

<sc_bundles>
// kernel: kernel.4.cloned.1.call-start
scs
__scs_entry_jumppad:
0x0: {  	(pc) =	sbr.rel $0x88, $3  }
0x1: {  	(tag) =	ssettag $0x0;
	lr =	simm.s32 $0x1  }
0x2: {  	[smem:$0x3FA0] =	sst lr;
	_ =	strace $0xD0000000  }
0x3: {  	_ = 	snop  }
0x4: {  	_ = 	snop  }
0x5: {  	_ = 	snop  }
0x6: {  	_ = 	snop  }
0x7: {  	_ = 	snop  }
__scs_overlays_trampoline_lowered:
0x8: {  	[smem:$0x3FAF] =	sst s0  }
0x9: {  	[smem:$0x3FB0] =	sst s1  }
0xa: {  	[smem:$0x3FB1] =	sst s2  }
0xb: {  	[smem:$0x3FB2] =	sst s3  }
0xc: {  	[smem:$0x3FB3] =	sst s4  }
0xd: {  	[smem:$0x3FB4] =	sst s5  }
0xe: {  	[smem:$0x3FB5] =	sst s6  }
0xf: {  	[smem:$0x3FB6] =	sst s7  }
0x10: {  	[smem:$0x3FB7] =	sst s8  }
0x11: {  	[smem:$0x3FB8] =	sst s9;
	s0 =	simm.s32 @!p0 $0x0  }
0x12: {  	s1 =	sld [smem:$0x3F9E];
	s0 =	simm.s32 @p0 $0x1  }
0x13: {  	[smem:$0x3FB9] =	sst s0;
	s0 =	simm.s32 @!p1 $0x0  }
0x14: {  	s2 =	sld [smem:$0x3F9D];
	s0 =	simm.s32 @p1 $0x1  }
0x15: {  	[smem:$0x3FBA] =	sst s0;
	s0 =	simm.s32 @!p2 $0x0  }
0x16: {  	s3 =	sld [smem:$0x3FDB];
	s0 =	simm.s32 @p2 $0x1  }
0x17: {  	s4 =	simm.s32 $0x1BF5;
	[smem:$0x3FBC] =	sst s0  }
0x18: {  	s0 =	sld [smem:$0x3F9F];
	_ =	swait.ge [sflag:s4], $0x0  }
0x19: {  	s7 =	sld [smem:$0x3FA0]  }
0x1a: {  	s8 =	sadd.s32 $0xFFFFE003, lr  }
0x1b: {  	s9 =	sadd.s32 $0xFFFFFEF7, lr;
	s5 =	simm.s32 $0xFFFFFFFF;
	p2 =	slt.u32 s8, $0xFFFFF086  }
0x1c: {  	p1 =	slt.u32 s9, $0xF7A;
	s5 =	simm.s32 @!p2 $0x0  }
0x1d: {  	s5 =	simm.s32 @p1 $0x1;
	p0 =	seq.s32 s7, s2  }
0x1e: {  	s7 =	smul.u32 @!p0 $0xF7A, s2;
	p2 =	seq.s32 @!p0 s5, $0x0  }
0x1f: {  	s9 =	smul.u32 $0xF7A, s1;
	s8 =	simm.s32 @!p0 $0x1BF5;
	p2 =	por !p2, p0  }
0x20: {  	[sflag:s8] =	ssyncset.s32 @!p0 $0xFFFFF086;
	s6 =	sadd.s32 @!p0 s3, s7;
	s7 =	simm.s32 @!p0 $0x108  }
0x21: {  	s3 =	sadd.s32 s3, s9;
	s6 =	sadd.s32 @!p0 $0x88, s6;
	s7 =	simm.s32 @p2 $0x1082  }
0x22: {  	[simem:s7], [sflag:s8] =	dma.local @!p0 [hbm:s6], $0xF7A  }
0x23: {  	s9 =	sor.u32 $0xD0000000, s2;
	s6 =	simm.s32 $0x108;
	_ =	swait.ge @!p0 [sflag:s8], $0x0  }
0x24: {  	s3 =	sadd.s32 $0x88, s3;
	s6 =	simm.s32 @!p1 $0x1082;
	[sflag:s4] =	ssyncset.s32 $0xFFFFF086  }
0x25: {  	[simem:s6], [sflag:s4] =	dma.local [hbm:s3], $0xF7A  }
0x26: {  	[smem:$0x3FA0] =	sst s1;
	(tag) =	ssettag s2;
	_ =	strace s9  }
0x27: {  	s1 =	sld [smem:$0x3FB0]  }
0x28: {  	s2 =	sld [smem:$0x3FB1]  }
0x29: {  	s4 =	sld [smem:$0x3FB3]  }
0x2a: {  	p0 =	seq.s32 s5, $0x0;
	s5 =	sld [smem:$0x3FB4]  }
0x2b: {  	s6 =	sld [smem:$0x3FB5]  }
0x2c: {  	s7 =	sld [smem:$0x3FB6]  }
0x2d: {  	s3 =	simm.s32 $0x108;
	s8 =	sld [smem:$0x3FB7]  }
0x2e: {  	s3 =	simm.s32 @!p0 $0x1082;
	s9 =	sld [smem:$0x3FB8]  }
0x2f: {  	lr =	sadd.s32 s0, s3;
	s0 =	sld [smem:$0x3FAF]  }
0x30: {  	s3 =	sld [smem:$0x3FB2]  }
0x31: {  	[smem:$0x3FBB] =	sst s10  }
0x32: {  	s10 =	sld [smem:$0x3FB9];
	_ =	sdelay $0x3  }
0x33: {  	p0 =	seq.s32 s10, $0x1;
	s10 =	sld [smem:$0x3FBB];
	_ =	sdelay $0x3  }
0x34: {  	[smem:$0x3FBB] =	sst s10  }
0x35: {  	s10 =	sld [smem:$0x3FBA];
	_ =	sdelay $0x3  }
0x36: {  	p1 =	seq.s32 s10, $0x1;
	s10 =	sld [smem:$0x3FBB];
	_ =	sdelay $0x3  }
0x37: {  	[smem:$0x3FBB] =	sst s10  }
0x38: {  	s10 =	sld [smem:$0x3FBC]  }
0x39: {  	_ = 	snop;
	(pc) =	sbr.ind lr, $3  }
0x3a: {  	_ = 	snop  }
0x3b: {  	_ = 	snop  }
0x3c: {  	p2 =	seq.s32 s10, $0x1;
	s10 =	sld [smem:$0x3FBB]  }
0x3d: {  	_ =	shalt  }
0x3e: {  	_ =	shalt  }
0x3f: {  	_ =	shalt  }
0x40: {  	_ =	shalt  }
0x41: {  	_ =	shalt  }
0x42: {  	_ =	shalt  }
0x43: {  	_ =	shalt  }
0x44: {  	_ =	shalt  }
0x45: {  	_ =	shalt  }
0x46: {  	_ =	shalt  }
0x47: {  	_ =	shalt  }
0x48: {  	_ =	shalt  }
0x49: {  	_ =	shalt  }
0x4a: {  	_ =	shalt  }
0x4b: {  	_ =	shalt  }
0x4c: {  	_ =	shalt  }
0x4d: {  	_ =	shalt  }
0x4e: {  	_ =	shalt  }
0x4f: {  	_ =	shalt  }
0x50: {  	_ =	shalt  }
0x51: {  	_ =	shalt  }
0x52: {  	_ =	shalt  }
0x53: {  	_ =	shalt  }
0x54: {  	_ =	shalt  }
0x55: {  	_ =	shalt  }
0x56: {  	_ =	shalt  }
0x57: {  	_ =	shalt  }
0x58: {  	_ =	shalt  }
0x59: {  	_ =	shalt  }
0x5a: {  	_ =	shalt  }
0x5b: {  	_ =	shalt  }
0x5c: {  	_ =	shalt  }
0x5d: {  	_ =	shalt  }
0x5e: {  	_ =	shalt  }
0x5f: {  	_ =	shalt  }
0x60: {  	_ =	shalt  }
0x61: {  	_ =	shalt  }
0x62: {  	_ =	shalt  }
0x63: {  	_ =	shalt  }
0x64: {  	_ =	shalt  }
0x65: {  	_ =	shalt  }
0x66: {  	_ =	shalt  }
0x67: {  	_ =	shalt  }
0x68: {  	_ =	shalt  }
0x69: {  	_ =	shalt  }
0x6a: {  	_ =	shalt  }
0x6b: {  	_ =	shalt  }
0x6c: {  	_ =	shalt  }
0x6d: {  	_ =	shalt  }
0x6e: {  	_ =	shalt  }
0x6f: {  	_ =	shalt  }
0x70: {  	_ =	shalt  }
0x71: {  	_ =	shalt  }
0x72: {  	_ =	shalt  }
0x73: {  	_ =	shalt  }
0x74: {  	_ =	shalt  }
0x75: {  	_ =	shalt  }
0x76: {  	_ =	shalt  }
0x77: {  	_ =	shalt  }
0x78: {  	_ =	shalt  }
0x79: {  	_ =	shalt  }
0x7a: {  	_ =	shalt  }
0x7b: {  	_ =	shalt  }
0x7c: {  	_ =	shalt  }
0x7d: {  	_ =	shalt  }
0x7e: {  	_ =	shalt  }
0x7f: {  	_ =	shalt  }
0x80: {  	_ =	shalt  }
0x81: {  	_ =	shalt  }
0x82: {  	_ =	shalt  }
0x83: {  	_ =	shalt  }
0x84: {  	_ =	shalt  }
0x85: {  	_ =	shalt  }
0x86: {  	_ =	shalt  }
0x87: {  	_ =	shalt  }
.Lfunc_end0:
.L_simem_size_0:
called_computation_lowered:
.L_overlay_start_0:
0x88: {  	s2 =	sld [smem:$0x3FD9]  }
0x89: {  	s3 =	sld [smem:$0x3FFE];
	_ =	sdelay $0x1  }
0x8a: {  	s1 =	srdreg.scid  }
0x8b: {  	s0 =	sand.u32 $0x1, s1  }
0x8c: {  	s17 =	sshll.u32 s0, $0xA;
	s2 =	sadd.s32 s3, s2  }
0x8d: {  	s2 =	sadd.s32 s2, s17  }
0x8e: {  	[smem:$0x3FC7] =	sst s2  }
0x8f: {  	_ = 	snop  }
0x90: {  	s2 =	sld [smem:$0x3FC9];
	(tm) =	ssettm $0x1  }
0x91: {  	s18 =	sld [smem:$0x3FFB];
	_ =	sdelay $0x3  }
0x92: {  	_ =	strace s18  }
0x93: {  	s3 =	sld [smem:$0x3FFC];
	_ =	sdelay $0x3  }
0x94: {  	_ =	strace s3  }
0x95: {  	s3 =	sld [smem:$0x3FFD];
	_ =	sdelay $0x3  }
0x96: {  	_ =	strace s3  }
0x97: {  	_ =	strace $0x8FFFFFFF  }
0x98: {  	s19 =	sld [smem:$0x3FDB];
	_ =	sdelay $0x1  }
0x99: {  	s4 =	simm.s32 $_scs_section_size  }
0x9a: {  	s5 =	simm.s32 $_size__tile_overlayer_lowered;
	s6 =	simm.s32 $_tile_overlayer_lowered  }
0x9b: {  	s22 =	simm.s32 $0x1BFF;
	s21 =	sshll.u32 s6, $0x1;
	s3 =	sadd.s32 s4, s19  }
0x9c: {  	s7 =	simm.s32 $0x0;
	s20 =	sshll.u32 s5, $0x1;
	s5 =	sadd.s32 s21, s3  }
0x9d: {  	[timem:s7], [sflag:s22] =	dma.local [hbm:s5], s20  }
0x9e: {  	_ =	swait.ge [sflag:s22], s20  }
0x9f: {  	s4 =	ssub.s32 $0x0, s20;
	[sflag:s22] =	ssyncset.done $0x0  }
0xa0: {  	[sflag:s22] =	ssyncadd.s32 s4;
	_ =	sdelay $0x1  }
0xa1: {  	s23 =	simm.s32 $0x1B8B  }
0xa2: {  	_ =	swait.ge [sflag:s23], $0x1  }
0xa3: {  	[sflag:s23] =	ssyncset.done $0x0  }
0xa4: {  	s25 =	simm.s32 $0x1B8E;
	s24 =	sld [smem:$0x3FFE];
	[sflag:s23] =	ssyncadd.s32 $0xFFFFFFFF  }
0xa5: {  	s26 =	simm.s32 $execute0_lowered;
	[smem:$0x3FD2] =	sst s25  }
0xa6: {  	s5 =	sshll.u32 s26, $0x1;
	_ =	strace $0x80000046;
	[dreg:$0x1] =	wrdreg $0xFFFFFFFF  }
0xa7: {  	s28 =	simm.s32 $_size_execute0_lowered;
	s3 =	sadd.s32 s3, s5;
	[dreg:$0x0] =	wrdreg $0x0  }
0xa8: {  	s5 =	sshll.u32 s28, $0x1;
	[dreg:$0x2] =	wrdreg s3  }
0xa9: {  	[dreg:$0x3] =	wrdreg s5  }
0xaa: {  	[dreg:$0x4] =	wrdreg $0xC0  }
0xab: {  	_ =	task [dreg:s7], $0x5FFFF  }
0xac: {  	[dreg:$0x1] =	wrdreg $0xFFFFFFFF  }
0xad: {  	[dreg:$0x0] =	wrdreg $0x60  }
0xae: {  	[dreg:$0x2] =	wrdreg s2  }
0xaf: {  	[dreg:$0x3] =	wrdreg s24  }
0xb0: {  	[dreg:$0x4] =	wrdreg $0x9  }
0xb1: {  	_ =	task.clear_ibuf [dreg:s7], $0x5FFFF;
	_ =	strace $0x90000046  }
0xb2: {  	s29 =	simm.s32 $0x9;
	_ =	strace $0x80000048  }
0xb3: {  	_ =	swait.ge [sflag:s29], $0x1  }
0xb4: {  	[sflag:s29] =	ssyncadd.s32 $0xFFFFFFFF  }
0xb5: {  	_ =	strace $0x90000048  }
0xb6: {  	_ =	sfence  }
0xb7: {  	s30 =	sld [smem:$0x0];
	_ =	sdelay $0x2  }
0xb8: {  	s31 =	sshll.u32 s1, $0xD;
	s1 =	sshrl.u32 s1, $0x2  }
0xb9: {  	s3 =	sand.u32 $0x4000, s31;
	s1 =	sadd.s32 s1, s30  }
0xba: {  	s0 =	sor.u32 s3, s0;
	s1 =	sshll.u32 s1, $0x11  }
0xbb: {  	s0 =	sor.u32 s1, s0  }
0xbc: {  	s0 =	sadd.s32 $0x8F2B, s0  }
0xbd: {  	[sflag:s0] =	ssyncadd.remote.s32 $0x1  }
0xbe: {  	_ =	sfence.sel $0xFFFF  }
0xbf: {  	[dreg:$0x0] =	wrdreg $0xFFFFFFFF;
	(pc) =	sbr.abs _section_cstart, $3  }
0xc0: {  	[dreg:$0x1] =	wrdreg $0xFFFFFFFF  }
0xc1: {  	_ =	task.clear_ibuf [dreg:s7], $0x2FFFF;
	_ =	strace $0x9FFFFFFF  }
0xc2: {  	(tm) =	ssettm $0x7FFFFFFF  }
0xc3: {  	_ =	shalt  }
tec
execute0_lowered:
.L_overlay_start_1:
0x0: {  	(tag) =	ssettag $0x1  }
0x1: {  	v0 =	vimm.f32 $2.651650610e-01;
	vm0 =	vcmask $0x300  }
0x2: {  	vm14 =	vcmask $0x704;
	v0 =	vsel vm0, $0xBE87C3B7, v0  }
0x3: {  	vm15 =	vcmask $0xB08;
	v0 =	vsel vm14, $0xBE6B533D, v0  }
0x4: {  	vm4 =	vcmask $0xF0C;
	v0 =	vsel vm15, $0xBE471F0C, v0  }
0x5: {  	vm5 =	vcmask $0x1310;
	v0 =	vsel vm4, $0xBE22EADB, v0  }
0x6: {  	vm6 =	vcmask $0x1714;
	v0 =	vsel vm5, $0xBDFD6D55, v0  }
0x7: {  	s3 =	rddreg [dreg:$0x0];
	vm7 =	vcmask $0x1B18;
	v0 =	vsel vm6, $0xBDB504F4, v0  }
0x8: {  	s4 =	rddreg [dreg:$0x1];
	s0 =	simm.s32 $0x0;
	s2 =	srdreg.scid;
	vm8 =	vcmask $0x1F1C;
	v0 =	vsel vm7, $0xBD593924, v0  }
0x9: {  	s1 =	stileid.u32;
	vm9 =	vcmask $0x2320;
	s9 =	simm.s32 $0x1;
	s10 =	simm.s32 $0x3;
	v0 =	vsel vm8, $0xBC90D0C3, v0  }
0xa: {  	vm10 =	vcmask $0x2724;
	s11 =	simm.s32 $0x2;
	s12 =	simm.s32 $0x4;
	[smem:$0x7FF] =	sst s0;
	v0 =	vsel vm9, $0x3C90D0C3, v0  }
0xb: {  	vm11 =	vcmask $0x2B28;
	s13 =	simm.s32 $0x0;
	s5 =	sand.u32 $0x1, s2;
	s2 =	rddreg [dreg:$0x2];
	v0 =	vsel vm10, $0x3D593924, v0  }
0xc: {  	vm12 =	vcmask $0x2F2C;
	s6 =	sshll.u32 s1, $0xE;
	s7 =	sshll.u32 s5, $0xD;
	s5 =	ssub.s32 $0x2, s5;
	v0 =	vsel vm11, $0x3DB504F4, v0  }
0xd: {  	vm13 =	vcmask $0x3330;
	_ =	strace $0x80000047;
	s6 =	sor.u32 s7, s6;
	s31 =	sshrl.u32 s5, $0x1;
	v0 =	vsel vm12, $0x3DFD6D55, v0  }
0xe: {  	vm14 =	vcmask $0x3734;
	s7 =	sadd.s32 s6, s4;
	s6 =	sadd.s32 s6, s3;
	s8 =	ssub.s32 s5, s31;
	v0 =	vsel vm13, $0x3E22EADB, v0  }
0xf: {  	vm15 =	vcmask $0x3B38;
	s3 =	sadd.s32 $0x7C0000, s6;
	s4 =	sadd.s32 $0x7C1000, s6;
	s5 =	sadd.s32 $0x400, s7;
	v0 =	vsel vm14, $0x3E471F0C, v0  }
0x10: {  	s6 =	sadd.s32 $0x1400, s7;
	s7 =	smax.u32 s8, $0x1;
	s8 =	simm.s32 $0x8000;
	v0 =	vsel vm15, $0x3E6B533D, v0  }
.LBB2_1:
0x11: {  	[tilespmem:$0x10000] =	vst v0  }
0x12: {  	[tilespmem:s0], [sflag:$0x1] =	stream.linear.gather [hbm4b:s3+s0], $0x8000, $0x38;
	[tilespmem:$0x10080] =	vst v63  }
0x13: {  	_ = 	snop  }
0x14: {  	[tilespmem:s8], [sflag:$0x2] =	stream.linear.gather [hbm4b:s4+s0], $0x8000, $0x38;
	[tilespmem:$0x10080] =	vst v63  }
0x15: {  	_ =	swait.ge [sflag:s9], $0x8000  }
0x16: {  	[sflag:s9] =	ssyncset.done $0x0  }
0x17: {  	s14 =	simm.s32 $0x100;
	[sflag:s9] =	ssyncadd.s32 $0xFFFF8000  }
0x18: {  	v2 =	vld [tilespmem:s14+$0xF0]  }
0x19: {  	v3 =	vld [tilespmem:s14+$0xFFFFFF10]  }
0x1a: {  	v4 =	vld [tilespmem:s14+$0xFFFFFF20]  }
0x1b: {  	v5 =	vld [tilespmem:s14+$0xFFFFFF30]  }
0x1c: {  	v6 =	vld [tilespmem:s14+$0xFFFFFF40]  }
0x1d: {  	v7 =	vld [tilespmem:s14+$0xFFFFFF50]  }
0x1e: {  	v8 =	vld [tilespmem:s14+$0xFFFFFF60]  }
0x1f: {  	v9 =	vld [tilespmem:s14+$0xFFFFFF70]  }
0x20: {  	v10 =	vld [tilespmem:s14+$0xFFFFFF80]  }
0x21: {  	v11 =	vld [tilespmem:s14+$0xFFFFFF90]  }
0x22: {  	v12 =	vld [tilespmem:s14+$0xFFFFFFA0]  }
0x23: {  	v16 =	vld [tilespmem:s14+$0xFFFFFFE0]  }
0x24: {  	v17 =	vld [tilespmem:s14+$0xFFFFFFF0]  }
0x25: {  	v18 =	vld [tilespmem:s14+$0x0]  }
0x26: {  	v19 =	vld [tilespmem:s14+$0x10]  }
0x27: {  	v20 =	vld [tilespmem:s14+$0x20]  }
0x28: {  	v21 =	vld [tilespmem:s14+$0x30]  }
0x29: {  	v22 =	vld [tilespmem:s14+$0x40]  }
0x2a: {  	v23 =	vld [tilespmem:s14+$0x50]  }
0x2b: {  	v24 =	vld [tilespmem:s14+$0x60]  }
0x2c: {  	v25 =	vld [tilespmem:s14+$0x80]  }
0x2d: {  	v26 =	vld [tilespmem:s14+$0x90]  }
0x2e: {  	v27 =	vld [tilespmem:s14+$0xA0]  }
0x2f: {  	v28 =	vld [tilespmem:s14+$0xB0];
	v2 =	vmax.f32 v2, $-2.651650310e-01;
	v3 =	vmax.f32 v3, $-2.651650310e-01  }
0x30: {  	v29 =	vld [tilespmem:s14+$0xC0];
	v4 =	vmax.f32 v4, $-2.651650310e-01;
	v5 =	vmax.f32 v5, $-2.651650310e-01;
	v6 =	vmax.f32 v6, $-2.651650310e-01  }
0x31: {  	v30 =	vld [tilespmem:s14+$0xD0];
	v7 =	vmax.f32 v7, $-2.651650310e-01;
	v8 =	vmax.f32 v8, $-2.651650310e-01;
	v9 =	vmax.f32 v9, $-2.651650310e-01  }
0x32: {  	v31 =	vld [tilespmem:s14+$0xE0];
	v10 =	vmax.f32 v10, $-2.651650310e-01;
	v11 =	vmax.f32 v11, $-2.651650310e-01;
	v12 =	vmax.f32 v12, $-2.651650310e-01  }
0x33: {  	v32 =	vld [tilespmem:s14+$0xFFFFFF00];
	v16 =	vmax.f32 v16, $-2.651650310e-01;
	v17 =	vmax.f32 v17, $-2.651650310e-01;
	v18 =	vmax.f32 v18, $-2.651650310e-01  }
0x34: {  	v19 =	vmax.f32 v19, $-2.651650310e-01;
	v20 =	vmax.f32 v20, $-2.651650310e-01;
	v21 =	vmax.f32 v21, $-2.651650310e-01  }
0x35: {  	v22 =	vmax.f32 v22, $-2.651650310e-01;
	v23 =	vmax.f32 v23, $-2.651650310e-01;
	v24 =	vmax.f32 v24, $-2.651650310e-01  }
0x36: {  	v25 =	vmax.f32 v25, $-2.651650310e-01;
	v26 =	vmax.f32 v26, $-2.651650310e-01;
	v27 =	vmax.f32 v27, $-2.651650310e-01  }
0x37: {  	v28 =	vmax.f32 v28, $-2.651650310e-01;
	v29 =	vmax.f32 v29, $-2.651650310e-01;
	v30 =	vmax.f32 v30, $-2.651650310e-01  }
0x38: {  	v31 =	vmax.f32 v31, $-2.651650310e-01;
	v32 =	vmax.f32 v32, $-2.651650310e-01;
	v2 =	vmin.f32 v2, $2.651650310e-01  }
0x39: {  	v3 =	vmin.f32 v3, $2.651650310e-01;
	v4 =	vmin.f32 v4, $2.651650310e-01;
	v5 =	vmin.f32 v5, $2.651650310e-01  }
0x3a: {  	v6 =	vmin.f32 v6, $2.651650310e-01;
	v7 =	vmin.f32 v7, $2.651650310e-01;
	v8 =	vmin.f32 v8, $2.651650310e-01  }
0x3b: {  	v9 =	vmin.f32 v9, $2.651650310e-01;
	v10 =	vmin.f32 v10, $2.651650310e-01;
	v11 =	vmin.f32 v11, $2.651650310e-01  }
0x3c: {  	v12 =	vmin.f32 v12, $2.651650310e-01;
	v16 =	vmin.f32 v16, $2.651650310e-01;
	v17 =	vmin.f32 v17, $2.651650310e-01  }
0x3d: {  	v18 =	vmin.f32 v18, $2.651650310e-01;
	v19 =	vmin.f32 v19, $2.651650310e-01;
	v20 =	vmin.f32 v20, $2.651650310e-01  }
0x3e: {  	v21 =	vmin.f32 v21, $2.651650310e-01;
	v22 =	vmin.f32 v22, $2.651650310e-01;
	v2 =	vmul.f32 $2.828427120e+01, v2  }
0x3f: {  	v23 =	vmin.f32 v23, $2.651650310e-01;
	v3 =	vmul.f32 $2.828427120e+01, v3;
	v4 =	vmul.f32 $2.828427120e+01, v4  }
0x40: {  	v24 =	vmin.f32 v24, $2.651650310e-01;
	v5 =	vmul.f32 $2.828427120e+01, v5;
	v6 =	vmul.f32 $2.828427120e+01, v6  }
0x41: {  	v32 =	vmin.f32 v32, $2.651650310e-01;
	v7 =	vmul.f32 $2.828427120e+01, v7;
	v8 =	vmul.f32 $2.828427120e+01, v8  }
0x42: {  	v25 =	vmin.f32 v25, $2.651650310e-01;
	v9 =	vmul.f32 $2.828427120e+01, v9;
	v32 =	vmul.f32 $2.828427120e+01, v32  }
0x43: {  	v26 =	vmin.f32 v26, $2.651650310e-01;
	v10 =	vmul.f32 $2.828427120e+01, v10;
	v11 =	vmul.f32 $2.828427120e+01, v11  }
0x44: {  	v27 =	vmin.f32 v27, $2.651650310e-01;
	v12 =	vmul.f32 $2.828427120e+01, v12;
	v16 =	vmul.f32 $2.828427120e+01, v16  }
0x45: {  	v28 =	vmin.f32 v28, $2.651650310e-01;
	v17 =	vmul.f32 $2.828427120e+01, v17;
	v18 =	vmul.f32 $2.828427120e+01, v18  }
0x46: {  	v29 =	vmin.f32 v29, $2.651650310e-01;
	v19 =	vmul.f32 $2.828427120e+01, v19;
	v20 =	vmul.f32 $2.828427120e+01, v20  }
0x47: {  	v30 =	vmin.f32 v30, $2.651650310e-01;
	v21 =	vmul.f32 $2.828427120e+01, v21;
	v22 =	vmul.f32 $2.828427120e+01, v22  }
0x48: {  	v31 =	vmin.f32 v31, $2.651650310e-01;
	v23 =	vmul.f32 $2.828427120e+01, v23;
	v24 =	vmul.f32 $2.828427120e+01, v24  }
0x49: {  	v25 =	vmul.f32 $2.828427120e+01, v25;
	v26 =	vmul.f32 $2.828427120e+01, v26;
	v2 =	vadd.f32 $8.000000000e+00, v2  }
0x4a: {  	v27 =	vmul.f32 $2.828427120e+01, v27;
	v3 =	vadd.f32 $8.000000000e+00, v3;
	v4 =	vadd.f32 $8.000000000e+00, v4  }
0x4b: {  	v28 =	vmul.f32 $2.828427120e+01, v28;
	v32 =	vadd.f32 $8.000000000e+00, v32;
	v5 =	vadd.f32 $8.000000000e+00, v5  }
0x4c: {  	v29 =	vmul.f32 $2.828427120e+01, v29;
	v6 =	vadd.f32 $8.000000000e+00, v6;
	v7 =	vadd.f32 $8.000000000e+00, v7  }
0x4d: {  	v30 =	vmul.f32 $2.828427120e+01, v30;
	v8 =	vadd.f32 $8.000000000e+00, v8;
	v9 =	vadd.f32 $8.000000000e+00, v9  }
0x4e: {  	v31 =	vmul.f32 $2.828427120e+01, v31;
	v10 =	vadd.f32 $8.000000000e+00, v10;
	v11 =	vadd.f32 $8.000000000e+00, v11  }
0x4f: {  	v12 =	vadd.f32 $8.000000000e+00, v12;
	v16 =	vadd.f32 $8.000000000e+00, v16;
	v2 =	vtrunc.f32 v2  }
0x50: {  	v17 =	vadd.f32 $8.000000000e+00, v17;
	v32 =	vtrunc.f32 v32;
	v3 =	vtrunc.f32 v3  }
0x51: {  	v18 =	vadd.f32 $8.000000000e+00, v18;
	v4 =	vtrunc.f32 v4;
	v5 =	vtrunc.f32 v5  }
0x52: {  	v19 =	vadd.f32 $8.000000000e+00, v19;
	v6 =	vtrunc.f32 v6;
	v7 =	vtrunc.f32 v7  }
0x53: {  	v20 =	vadd.f32 $8.000000000e+00, v20;
	v8 =	vtrunc.f32 v8;
	v9 =	vtrunc.f32 v9  }
0x54: {  	v21 =	vadd.f32 $8.000000000e+00, v21;
	v10 =	vtrunc.f32 v10;
	v11 =	vtrunc.f32 v11  }
0x55: {  	v22 =	vadd.f32 $8.000000000e+00, v22;
	v12 =	vtrunc.f32 v12;
	v16 =	vtrunc.f32 v16  }
0x56: {  	v23 =	vadd.f32 $8.000000000e+00, v23;
	v17 =	vtrunc.f32 v17;
	v34 =	vtrunc.f32 v18  }
0x57: {  	v24 =	vadd.f32 $8.000000000e+00, v24;
	v35 =	vtrunc.f32 v19;
	v36 =	vtrunc.f32 v20  }
0x58: {  	v25 =	vadd.f32 $8.000000000e+00, v25;
	v37 =	vtrunc.f32 v21;
	v38 =	vtrunc.f32 v22  }
0x59: {  	v39 =	vtrunc.f32 v23;
	v40 =	vtrunc.f32 v24  }
0x5a: {  	v19 =	vadd.f32 $8.000000000e+00, v28;
	v42 =	vtrunc.f32 v25;
	v2 =	vcvt.f32.s32 v2  }
0x5b: {  	v21 =	vadd.f32 $8.000000000e+00, v30;
	v32 =	vcvt.f32.s32 v32;
	v30 =	vcvt.f32.s32 v3  }
0x5c: {  	v1 =	vld [tilespmem:$0x10000];
	v20 =	vadd.f32 $8.000000000e+00, v29;
	v28 =	vcvt.f32.s32 v5;
	v29 =	vcvt.f32.s32 v6  }
0x5d: {  	v13 =	vld [tilespmem:s14+$0xFFFFFFB0];
	v18 =	vadd.f32 $8.000000000e+00, v27;
	v27 =	vcvt.f32.s32 v8;
	v22 =	vcvt.f32.s32 v9  }
0x5e: {  	v14 =	vld [tilespmem:s14+$0xFFFFFFC0];
	v24 =	vcvt.f32.s32 v10;
	v25 =	vcvt.f32.s32 v11  }
0x5f: {  	v15 =	vld [tilespmem:s14+$0xFFFFFFD0];
	v17 =	vcvt.f32.s32 v17;
	v11 =	vcvt.f32.s32 v38  }
0x60: {  	v10 =	vcvt.f32.s32 v39;
	v9 =	vcvt.f32.s32 v40  }
0x61: {  	v44 =	vtrunc.f32 v18;
	v45 =	vtrunc.f32 v19  }
0x62: {  	v13 =	vmax.f32 v13, $-2.651650310e-01;
	v46 =	vtrunc.f32 v20;
	v2 =	vperm.xlane v1, v2  }
0x63: {  	v14 =	vmax.f32 v14, $-2.651650310e-01;
	v47 =	vtrunc.f32 v21;
	v21 =	vcvt.f32.s32 v12  }
0x64: {  	[tilespmem:s14+$0xF0] =	vst v2;
	v2 =	vmin.f32 v13, $2.651650310e-01;
	v13 =	vmin.f32 v14, $2.651650310e-01;
	v14 =	vmax.f32 v15, $-2.651650310e-01;
	v15 =	vld [tilespmem:s14+$0x70]  }
0x65: {  	v18 =	vcvt.f32.s32 v16;
	v14 =	vmin.f32 v14, $2.651650310e-01;
	v2 =	vmul.f32 $2.828427120e+01, v2  }
0x66: {  	v13 =	vmul.f32 $2.828427120e+01, v13;
	v14 =	vmul.f32 $2.828427120e+01, v14  }
0x67: {  	v16 =	vcvt.f32.s32 v34;
	v12 =	vcvt.f32.s32 v37;
	v2 =	vadd.f32 $8.000000000e+00, v2  }
0x68: {  	v5 =	vcvt.f32.s32 v44;
	v13 =	vadd.f32 $8.000000000e+00, v13;
	v14 =	vadd.f32 $8.000000000e+00, v14  }
0x69: {  	v3 =	vcvt.f32.s32 v46;
	v15 =	vmax.f32 v15, $-2.651650310e-01;
	v2 =	vtrunc.f32 v2  }
0x6a: {  	v13 =	vtrunc.f32 v13;
	v15 =	vmin.f32 v15, $2.651650310e-01;
	v33 =	vtrunc.f32 v14  }
0x6b: {  	v14 =	vadd.f32 $8.000000000e+00, v26;
	v26 =	vcvt.f32.s32 v7;
	v20 =	vcvt.f32.s32 v2  }
0x6c: {  	v19 =	vcvt.f32.s32 v13;
	v15 =	vmul.f32 $2.828427120e+01, v15  }
0x6d: {  	v13 =	vcvt.f32.s32 v36;
	v7 =	vcvt.f32.s32 v42  }
0x6e: {  	v2 =	vcvt.f32.s32 v47;
	v43 =	vtrunc.f32 v14;
	v15 =	vadd.f32 $8.000000000e+00, v15  }
0x6f: {  	v23 =	vcvt.f32.s32 v33;
	v6 =	vcvt.f32.s32 v43  }
0x70: {  	v41 =	vtrunc.f32 v15;
	v15 =	vadd.f32 $8.000000000e+00, v31;
	v31 =	vcvt.f32.s32 v4  }
0x71: {  	v4 =	vcvt.f32.s32 v45;
	v8 =	vcvt.f32.s32 v41  }
0x72: {  	s15 =	simm.s32 $0x0;
	s16 =	simm.s32 $0x300;
	v14 =	vtrunc.f32 v15;
	v15 =	vcvt.f32.s32 v35  }
.LBB2_2:
0x73: {  	v33 =	vld [tilespmem:s16+$0xF0];
	s15 =	sadd.s32 $0x4, s15;
	v32 =	vperm.xlane v1, v32;
	v14 =	vcvt.f32.s32 v14  }
0x74: {  	v30 =	vperm.xlane v1, v30;
	v31 =	vperm.xlane v1, v31;
	v34 =	vld [tilespmem:s16+$0xFFFFFF10];
	p0 =	slt.u32 s15, $0xFC  }
0x75: {  	v28 =	vperm.xlane v1, v28;
	v29 =	vperm.xlane v1, v29;
	v35 =	vld [tilespmem:s16+$0xFFFFFF20];
	[tilespmem:s14+$0xFFFFFF00] =	vst v32  }
0x76: {  	v26 =	vperm.xlane v1, v26;
	v27 =	vperm.xlane v1, v27;
	v32 =	vld [tilespmem:s16+$0xFFFFFF30];
	[tilespmem:s14+$0xFFFFFF10] =	vst v30  }
0x77: {  	v24 =	vperm.xlane v1, v24;
	v30 =	vld [tilespmem:s16+$0xFFFFFF40];
	[tilespmem:s14+$0xFFFFFF20] =	vst v31;
	v31 =	vperm.xlane v1, v22  }
0x78: {  	v25 =	vperm.xlane v1, v25;
	v36 =	vld [tilespmem:s16+$0xFFFFFF50];
	v22 =	vmax.f32 v33, $-2.651650310e-01;
	[tilespmem:s14+$0xFFFFFF30] =	vst v28;
	v28 =	vperm.xlane v1, v21  }
0x79: {  	v21 =	vmax.f32 v34, $-2.651650310e-01;
	v33 =	vld [tilespmem:s16+$0xFFFFFF60];
	v22 =	vmin.f32 v22, $2.651650310e-01;
	[tilespmem:s14+$0xFFFFFF40] =	vst v29;
	v29 =	vperm.xlane v1, v20  }
0x7a: {  	v20 =	vmax.f32 v35, $-2.651650310e-01;
	v34 =	vld [tilespmem:s16+$0xFFFFFF70];
	v22 =	vmul.f32 $2.828427120e+01, v22;
	[tilespmem:s14+$0xFFFFFF50] =	vst v26;
	v26 =	vperm.xlane v1, v19  }
0x7b: {  	v21 =	vmin.f32 v21, $2.651650310e-01;
	v19 =	vmin.f32 v20, $2.651650310e-01;
	v20 =	vmax.f32 v32, $-2.651650310e-01;
	v32 =	vld [tilespmem:s16+$0xFFFFFF80];
	[tilespmem:s14+$0xFFFFFF60] =	vst v27  }
0x7c: {  	v20 =	vmin.f32 v20, $2.651650310e-01;
	v27 =	vmax.f32 v30, $-2.651650310e-01;
	v30 =	vld [tilespmem:s16+$0xFFFFFF90];
	v35 =	vadd.f32 $8.000000000e+00, v22;
	[tilespmem:s14+$0xFFFFFF90] =	vst v25  }
0x7d: {  	v22 =	vmin.f32 v27, $2.651650310e-01;
	v25 =	vmax.f32 v36, $-2.651650310e-01;
	v27 =	vld [tilespmem:s16+$0xFFFFFFA0];
	[tilespmem:s14+$0xFFFFFF70] =	vst v31;
	v31 =	vperm.xlane v1, v23  }
0x7e: {  	v23 =	vmin.f32 v25, $2.651650310e-01;
	v25 =	vmax.f32 v33, $-2.651650310e-01;
	v33 =	vld [tilespmem:s16+$0xFFFFFFB0];
	v35 =	vtrunc.f32 v35;
	[tilespmem:s14+$0xFFFFFF80] =	vst v24  }
0x7f: {  	v24 =	vmin.f32 v25, $2.651650310e-01;
	v25 =	vmax.f32 v34, $-2.651650310e-01;
	v34 =	vld [tilespmem:s16+$0xFFFFFFC0];
	v35 =	vcvt.f32.s32 v35;
	[tilespmem:s14+$0xFFFFFFA0] =	vst v28  }
0x80: {  	v25 =	vmin.f32 v25, $2.651650310e-01;
	v28 =	vmax.f32 v32, $-2.651650310e-01;
	v32 =	vld [tilespmem:s16+$0xFFFFFFD0];
	[tilespmem:s14+$0xFFFFFFB0] =	vst v29;
	v29 =	vperm.xlane v1, v18  }
0x81: {  	v18 =	vmin.f32 v28, $2.651650310e-01;
	v28 =	vmax.f32 v30, $-2.651650310e-01;
	v30 =	vld [tilespmem:s16+$0xFFFFFFE0];
	v35 =	vperm.xlane v1, v35;
	[tilespmem:s14+$0xFFFFFFC0] =	vst v26  }
0x82: {  	v17 =	vperm.xlane v1, v17;
	v26 =	vmin.f32 v28, $2.651650310e-01;
	v27 =	vmax.f32 v27, $-2.651650310e-01;
	v28 =	vld [tilespmem:s16+$0xFFFFFFF0];
	[tilespmem:s14+$0xFFFFFFD0] =	vst v31  }
0x83: {  	v16 =	vperm.xlane v1, v16;
	v27 =	vmin.f32 v27, $2.651650310e-01;
	v31 =	vmax.f32 v33, $-2.651650310e-01;
	v33 =	vld [tilespmem:s16+$0x0];
	[tilespmem:s16+$0xF0] =	vst v35  }
0x84: {  	v15 =	vperm.xlane v1, v15;
	v31 =	vmin.f32 v31, $2.651650310e-01;
	v34 =	vmax.f32 v34, $-2.651650310e-01;
	v35 =	vld [tilespmem:s16+$0x10];
	[tilespmem:s14+$0xFFFFFFE0] =	vst v29  }
0x85: {  	v13 =	vperm.xlane v1, v13;
	v29 =	vmin.f32 v34, $2.651650310e-01;
	v32 =	vmax.f32 v32, $-2.651650310e-01;
	v34 =	vld [tilespmem:s16+$0x20];
	[tilespmem:s14+$0xFFFFFFF0] =	vst v17  }
0x86: {  	v12 =	vperm.xlane v1, v12;
	v17 =	vmin.f32 v32, $2.651650310e-01;
	v30 =	vmax.f32 v30, $-2.651650310e-01;
	v32 =	vld [tilespmem:s16+$0x30];
	[tilespmem:s14+$0x0] =	vst v16  }
0x87: {  	v11 =	vperm.xlane v1, v11;
	v16 =	vmin.f32 v30, $2.651650310e-01;
	v28 =	vmax.f32 v28, $-2.651650310e-01;
	v30 =	vld [tilespmem:s16+$0x40];
	[tilespmem:s14+$0x10] =	vst v15  }
0x88: {  	v10 =	vperm.xlane v1, v10;
	v15 =	vmin.f32 v28, $2.651650310e-01;
	v28 =	vmax.f32 v33, $-2.651650310e-01;
	v33 =	vld [tilespmem:s16+$0x50];
	[tilespmem:s14+$0x20] =	vst v13  }
0x89: {  	v9 =	vperm.xlane v1, v9;
	v13 =	vmin.f32 v28, $2.651650310e-01;
	v28 =	vmax.f32 v35, $-2.651650310e-01;
	v35 =	vld [tilespmem:s16+$0x60];
	[tilespmem:s14+$0x30] =	vst v12  }
0x8a: {  	v8 =	vperm.xlane v1, v8;
	v12 =	vmin.f32 v28, $2.651650310e-01;
	v28 =	vmax.f32 v34, $-2.651650310e-01;
	v34 =	vld [tilespmem:s16+$0x70];
	[tilespmem:s14+$0x40] =	vst v11  }
0x8b: {  	v7 =	vperm.xlane v1, v7;
	v11 =	vmin.f32 v28, $2.651650310e-01;
	v28 =	vmax.f32 v32, $-2.651650310e-01;
	v32 =	vld [tilespmem:s16+$0x80];
	[tilespmem:s14+$0x50] =	vst v10  }
0x8c: {  	v6 =	vperm.xlane v1, v6;
	v10 =	vmin.f32 v28, $2.651650310e-01;
	v28 =	vmax.f32 v30, $-2.651650310e-01;
	v30 =	vld [tilespmem:s16+$0x90];
	[tilespmem:s14+$0x60] =	vst v9  }
0x8d: {  	v5 =	vperm.xlane v1, v5;
	v9 =	vmin.f32 v28, $2.651650310e-01;
	v28 =	vmax.f32 v33, $-2.651650310e-01;
	v33 =	vld [tilespmem:s16+$0xA0];
	[tilespmem:s14+$0x70] =	vst v8  }
0x8e: {  	v4 =	vperm.xlane v1, v4;
	v8 =	vmin.f32 v28, $2.651650310e-01;
	v28 =	vmax.f32 v35, $-2.651650310e-01;
	v35 =	vld [tilespmem:s16+$0xB0];
	[tilespmem:s14+$0x80] =	vst v7  }
0x8f: {  	v3 =	vperm.xlane v1, v3;
	v7 =	vmin.f32 v28, $2.651650310e-01;
	v28 =	vmax.f32 v34, $-2.651650310e-01;
	v34 =	vld [tilespmem:s16+$0xC0];
	[tilespmem:s14+$0x90] =	vst v6  }
0x90: {  	v2 =	vperm.xlane v1, v2;
	v6 =	vmin.f32 v28, $2.651650310e-01;
	v28 =	vmax.f32 v32, $-2.651650310e-01;
	v32 =	vld [tilespmem:s16+$0xD0];
	[tilespmem:s14+$0xA0] =	vst v5  }
0x91: {  	v5 =	vmin.f32 v28, $2.651650310e-01;
	v28 =	vmax.f32 v30, $-2.651650310e-01;
	v30 =	vld [tilespmem:s16+$0xE0];
	[tilespmem:s14+$0xB0] =	vst v4;
	v4 =	vperm.xlane v1, v14  }
0x92: {  	v14 =	vld [tilespmem:s16+$0xFFFFFF00];
	v28 =	vmin.f32 v28, $2.651650310e-01;
	v33 =	vmax.f32 v33, $-2.651650310e-01;
	[tilespmem:s14+$0xC0] =	vst v3  }
0x93: {  	v3 =	vmul.f32 $2.828427120e+01, v21;
	v21 =	vmin.f32 v33, $2.651650310e-01;
	v33 =	vmax.f32 v35, $-2.651650310e-01  }
0x94: {  	v19 =	vmul.f32 $2.828427120e+01, v19;
	v33 =	vmin.f32 v33, $2.651650310e-01;
	v34 =	vmax.f32 v34, $-2.651650310e-01  }
0x95: {  	v20 =	vmul.f32 $2.828427120e+01, v20;
	v34 =	vmin.f32 v34, $2.651650310e-01;
	v32 =	vmax.f32 v32, $-2.651650310e-01  }
0x96: {  	v22 =	vmul.f32 $2.828427120e+01, v22;
	v32 =	vmin.f32 v32, $2.651650310e-01;
	v30 =	vmax.f32 v30, $-2.651650310e-01  }
0x97: {  	v23 =	vmul.f32 $2.828427120e+01, v23;
	v14 =	vmax.f32 v14, $-2.651650310e-01;
	v30 =	vmin.f32 v30, $2.651650310e-01  }
0x98: {  	v24 =	vmul.f32 $2.828427120e+01, v24;
	v25 =	vmul.f32 $2.828427120e+01, v25;
	v14 =	vmin.f32 v14, $2.651650310e-01;
	[tilespmem:s14+$0xD0] =	vst v2  }
0x99: {  	v3 =	vadd.f32 $8.000000000e+00, v3;
	v2 =	vmul.f32 $2.828427120e+01, v14;
	v14 =	vmul.f32 $2.828427120e+01, v18;
	[tilespmem:s14+$0xE0] =	vst v4;
	s14 =	smov.u32 s16  }
0x9a: {  	v4 =	vadd.f32 $8.000000000e+00, v19;
	v18 =	vmul.f32 $2.828427120e+01, v26;
	v19 =	vmul.f32 $2.828427120e+01, v27  }
0x9b: {  	v26 =	vmul.f32 $2.828427120e+01, v31;
	v27 =	vmul.f32 $2.828427120e+01, v29;
	v2 =	vadd.f32 $8.000000000e+00, v2  }
0x9c: {  	v20 =	vadd.f32 $8.000000000e+00, v20;
	v17 =	vmul.f32 $2.828427120e+01, v17;
	v16 =	vmul.f32 $2.828427120e+01, v16  }
0x9d: {  	v22 =	vadd.f32 $8.000000000e+00, v22;
	v15 =	vmul.f32 $2.828427120e+01, v15;
	v13 =	vmul.f32 $2.828427120e+01, v13  }
0x9e: {  	v23 =	vadd.f32 $8.000000000e+00, v23;
	v12 =	vmul.f32 $2.828427120e+01, v12;
	v11 =	vmul.f32 $2.828427120e+01, v11  }
0x9f: {  	v24 =	vadd.f32 $8.000000000e+00, v24;
	v10 =	vmul.f32 $2.828427120e+01, v10;
	v9 =	vmul.f32 $2.828427120e+01, v9  }
0xa0: {  	v25 =	vadd.f32 $8.000000000e+00, v25;
	v8 =	vmul.f32 $2.828427120e+01, v8;
	v7 =	vmul.f32 $2.828427120e+01, v7  }
0xa1: {  	v6 =	vmul.f32 $2.828427120e+01, v6;
	v5 =	vmul.f32 $2.828427120e+01, v5;
	v14 =	vadd.f32 $8.000000000e+00, v14  }
0xa2: {  	v28 =	vmul.f32 $2.828427120e+01, v28;
	v21 =	vmul.f32 $2.828427120e+01, v21;
	v18 =	vadd.f32 $8.000000000e+00, v18  }
0xa3: {  	v29 =	vmul.f32 $2.828427120e+01, v33;
	v31 =	vmul.f32 $2.828427120e+01, v34;
	v19 =	vadd.f32 $8.000000000e+00, v19  }
0xa4: {  	v32 =	vmul.f32 $2.828427120e+01, v32;
	v30 =	vmul.f32 $2.828427120e+01, v30;
	v26 =	vadd.f32 $8.000000000e+00, v26  }
0xa5: {  	v17 =	vadd.f32 $8.000000000e+00, v17;
	v27 =	vadd.f32 $8.000000000e+00, v27;
	v2 =	vtrunc.f32 v2  }
0xa6: {  	v16 =	vadd.f32 $8.000000000e+00, v16;
	v15 =	vadd.f32 $8.000000000e+00, v15;
	v3 =	vtrunc.f32 v3  }
0xa7: {  	v13 =	vadd.f32 $8.000000000e+00, v13;
	v12 =	vadd.f32 $8.000000000e+00, v12;
	v4 =	vtrunc.f32 v4  }
0xa8: {  	v20 =	vtrunc.f32 v20;
	v11 =	vadd.f32 $8.000000000e+00, v11;
	v10 =	vadd.f32 $8.000000000e+00, v10  }
0xa9: {  	v22 =	vtrunc.f32 v22;
	v9 =	vadd.f32 $8.000000000e+00, v9;
	v8 =	vadd.f32 $8.000000000e+00, v8  }
0xaa: {  	v23 =	vtrunc.f32 v23;
	v7 =	vadd.f32 $8.000000000e+00, v7;
	v6 =	vadd.f32 $8.000000000e+00, v6  }
0xab: {  	v24 =	vtrunc.f32 v24;
	v5 =	vadd.f32 $8.000000000e+00, v5;
	v28 =	vadd.f32 $8.000000000e+00, v28  }
0xac: {  	v25 =	vtrunc.f32 v25;
	v21 =	vadd.f32 $8.000000000e+00, v21;
	v29 =	vadd.f32 $8.000000000e+00, v29  }
0xad: {  	v33 =	vtrunc.f32 v14;
	v14 =	vadd.f32 $8.000000000e+00, v31;
	v31 =	vadd.f32 $8.000000000e+00, v32  }
0xae: {  	v30 =	vadd.f32 $8.000000000e+00, v30;
	v18 =	vtrunc.f32 v18;
	v19 =	vtrunc.f32 v19  }
0xaf: {  	v34 =	vtrunc.f32 v26;
	v35 =	vtrunc.f32 v27  }
0xb0: {  	v17 =	vtrunc.f32 v17;
	v16 =	vtrunc.f32 v16  }
0xb1: {  	v15 =	vtrunc.f32 v15;
	v13 =	vtrunc.f32 v13  }
0xb2: {  	v12 =	vtrunc.f32 v12;
	v11 =	vtrunc.f32 v11  }
0xb3: {  	v10 =	vtrunc.f32 v10;
	v9 =	vtrunc.f32 v9  }
0xb4: {  	v8 =	vtrunc.f32 v8;
	v7 =	vtrunc.f32 v7  }
0xb5: {  	v6 =	vtrunc.f32 v6;
	v5 =	vtrunc.f32 v5  }
0xb6: {  	v36 =	vtrunc.f32 v28;
	v37 =	vtrunc.f32 v21  }
0xb7: {  	v38 =	vtrunc.f32 v29;
	v39 =	vtrunc.f32 v14  }
0xb8: {  	v40 =	vtrunc.f32 v31;
	v14 =	vtrunc.f32 v30  }
0xb9: {  	v32 =	vcvt.f32.s32 v2;
	v30 =	vcvt.f32.s32 v3  }
0xba: {  	v28 =	vcvt.f32.s32 v20;
	v31 =	vcvt.f32.s32 v4  }
0xbb: {  	v29 =	vcvt.f32.s32 v22;
	v26 =	vcvt.f32.s32 v23  }
0xbc: {  	v27 =	vcvt.f32.s32 v24;
	v22 =	vcvt.f32.s32 v25  }
0xbd: {  	v24 =	vcvt.f32.s32 v33;
	v25 =	vcvt.f32.s32 v18  }
0xbe: {  	v21 =	vcvt.f32.s32 v19;
	v20 =	vcvt.f32.s32 v34  }
0xbf: {  	v23 =	vcvt.f32.s32 v17;
	v19 =	vcvt.f32.s32 v35  }
0xc0: {  	v17 =	vcvt.f32.s32 v15;
	v18 =	vcvt.f32.s32 v16  }
0xc1: {  	v15 =	vcvt.f32.s32 v12;
	v16 =	vcvt.f32.s32 v13  }
0xc2: {  	v12 =	vcvt.f32.s32 v10;
	v13 =	vcvt.f32.s32 v11  }
.Ltmp0:
0xc3: {  	v10 =	vcvt.f32.s32 v8;
	v11 =	vcvt.f32.s32 v9;
	(pc) =	sbr.rel @p0 .LBB2_2-.Ltmp0, $4  }
0xc4: {  	v8 =	vcvt.f32.s32 v6;
	v9 =	vcvt.f32.s32 v7  }
0xc5: {  	v6 =	vcvt.f32.s32 v36;
	v7 =	vcvt.f32.s32 v5  }
0xc6: {  	v5 =	vcvt.f32.s32 v37;
	v4 =	vcvt.f32.s32 v38  }
0xc7: {  	s16 =	sadd.s32 $0x200, s16;
	v3 =	vcvt.f32.s32 v39;
	v2 =	vcvt.f32.s32 v40  }
0xc8: {  	v32 =	vperm.xlane v1, v32  }
0xc9: {  	v30 =	vperm.xlane v1, v30  }
0xca: {  	v31 =	vperm.xlane v1, v31;
	[tilespmem:s14+$0xFFFFFF00] =	vst v32  }
0xcb: {  	v28 =	vperm.xlane v1, v28;
	[tilespmem:s14+$0xFFFFFF10] =	vst v30  }
0xcc: {  	v29 =	vperm.xlane v1, v29;
	[tilespmem:s14+$0xFFFFFF20] =	vst v31  }
0xcd: {  	v26 =	vperm.xlane v1, v26;
	[tilespmem:s14+$0xFFFFFF30] =	vst v28  }
0xce: {  	v27 =	vperm.xlane v1, v27;
	[tilespmem:s14+$0xFFFFFF40] =	vst v29  }
0xcf: {  	v25 =	vperm.xlane v1, v25;
	[tilespmem:s14+$0xFFFFFF50] =	vst v26  }
0xd0: {  	v22 =	vperm.xlane v1, v22;
	[tilespmem:s14+$0xFFFFFF60] =	vst v27  }
0xd1: {  	v24 =	vperm.xlane v1, v24;
	[tilespmem:s14+$0xFFFFFF90] =	vst v25  }
0xd2: {  	v21 =	vperm.xlane v1, v21;
	[tilespmem:s14+$0xFFFFFF70] =	vst v22  }
0xd3: {  	v20 =	vperm.xlane v1, v20;
	[tilespmem:s14+$0xFFFFFF80] =	vst v24  }
0xd4: {  	v19 =	vperm.xlane v1, v19;
	[tilespmem:s14+$0xFFFFFFA0] =	vst v21  }
0xd5: {  	v18 =	vperm.xlane v1, v18;
	[tilespmem:s14+$0xFFFFFFB0] =	vst v20  }
0xd6: {  	v17 =	vperm.xlane v1, v17;
	[tilespmem:s14+$0xFFFFFFC0] =	vst v19  }
0xd7: {  	v16 =	vperm.xlane v1, v16;
	[tilespmem:s14+$0xFFFFFFE0] =	vst v18  }
0xd8: {  	v15 =	vperm.xlane v1, v15;
	[tilespmem:s14+$0xFFFFFFF0] =	vst v17  }
0xd9: {  	v13 =	vperm.xlane v1, v13;
	[tilespmem:s14+$0x0] =	vst v16  }
0xda: {  	v12 =	vperm.xlane v1, v12;
	[tilespmem:s14+$0x10] =	vst v15  }
0xdb: {  	v11 =	vperm.xlane v1, v11;
	[tilespmem:s14+$0x20] =	vst v13  }
0xdc: {  	v10 =	vperm.xlane v1, v10;
	[tilespmem:s14+$0x30] =	vst v12  }
0xdd: {  	v9 =	vperm.xlane v1, v9;
	[tilespmem:s14+$0x40] =	vst v11  }
0xde: {  	v8 =	vperm.xlane v1, v8;
	[tilespmem:s14+$0x50] =	vst v10  }
0xdf: {  	v7 =	vperm.xlane v1, v7;
	[tilespmem:s14+$0x60] =	vst v9  }
0xe0: {  	v6 =	vperm.xlane v1, v6;
	[tilespmem:s14+$0x70] =	vst v8  }
0xe1: {  	v5 =	vperm.xlane v1, v5;
	[tilespmem:s14+$0x80] =	vst v7  }
0xe2: {  	v4 =	vperm.xlane v1, v4;
	[tilespmem:s14+$0x90] =	vst v6  }
0xe3: {  	v3 =	vperm.xlane v1, v3;
	[tilespmem:s14+$0xA0] =	vst v5  }
0xe4: {  	v2 =	vperm.xlane v1, v2;
	v6 =	vcvt.f32.s32 v14;
	[tilespmem:s14+$0xB0] =	vst v4  }
0xe5: {  	v21 =	vperm.xlane v1, v23;
	[tilespmem:s14+$0xC0] =	vst v3  }
0xe6: {  	[tilespmem:s14+$0xD0] =	vst v2;
	v1 =	vperm.xlane v1, v6  }
0xe7: {  	[tilespmem:s14+$0xFFFFFFD0] =	vst v21  }
0xe8: {  	[tilespmem:s14+$0xE0] =	vst v1  }
0xe9: {  	[hbm4b:s5+s0] =	stream.linear.scatter [tilespmem:s0], [sflag:$0x3], $0x8000, $0x38;
	[tilespmem:$0x10080] =	vst v63  }
0xea: {  	_ =	swait.ge [sflag:s10], $0x8000  }
0xeb: {  	[sflag:s10] =	ssyncset.done $0x0  }
0xec: {  	[sflag:s10] =	ssyncadd.s32 $0xFFFF8000  }
0xed: {  	_ =	swait.ge [sflag:s11], $0x8000  }
0xee: {  	[sflag:s11] =	ssyncset.done $0x0  }
0xef: {  	s14 =	simm.s32 $0x8100;
	[sflag:s11] =	ssyncadd.s32 $0xFFFF8000  }
0xf0: {  	v2 =	vld [tilespmem:s14+$0xF0]  }
0xf1: {  	v3 =	vld [tilespmem:s14+$0xFFFFFF10]  }
0xf2: {  	v4 =	vld [tilespmem:s14+$0xFFFFFF20]  }
0xf3: {  	v5 =	vld [tilespmem:s14+$0xFFFFFF30]  }
0xf4: {  	v6 =	vld [tilespmem:s14+$0xFFFFFF40]  }
0xf5: {  	v7 =	vld [tilespmem:s14+$0xFFFFFF50]  }
0xf6: {  	v8 =	vld [tilespmem:s14+$0xFFFFFF60]  }
0xf7: {  	v9 =	vld [tilespmem:s14+$0xFFFFFF70]  }
0xf8: {  	v10 =	vld [tilespmem:s14+$0xFFFFFF80]  }
0xf9: {  	v11 =	vld [tilespmem:s14+$0xFFFFFF90]  }
0xfa: {  	v12 =	vld [tilespmem:s14+$0xFFFFFFA0]  }
0xfb: {  	v16 =	vld [tilespmem:s14+$0xFFFFFFE0]  }
0xfc: {  	v17 =	vld [tilespmem:s14+$0xFFFFFFF0]  }
0xfd: {  	v18 =	vld [tilespmem:s14+$0x0]  }
0xfe: {  	v19 =	vld [tilespmem:s14+$0x10]  }
0xff: {  	v20 =	vld [tilespmem:s14+$0x20]  }
0x100: {  	v21 =	vld [tilespmem:s14+$0x30]  }
0x101: {  	v22 =	vld [tilespmem:s14+$0x40]  }
0x102: {  	v23 =	vld [tilespmem:s14+$0x50]  }
0x103: {  	v24 =	vld [tilespmem:s14+$0x60]  }
0x104: {  	v25 =	vld [tilespmem:s14+$0x80]  }
0x105: {  	v26 =	vld [tilespmem:s14+$0x90]  }
0x106: {  	v27 =	vld [tilespmem:s14+$0xA0]  }
0x107: {  	v28 =	vld [tilespmem:s14+$0xB0];
	v2 =	vmax.f32 v2, $-2.651650310e-01;
	v3 =	vmax.f32 v3, $-2.651650310e-01  }
0x108: {  	v29 =	vld [tilespmem:s14+$0xC0];
	v4 =	vmax.f32 v4, $-2.651650310e-01;
	v5 =	vmax.f32 v5, $-2.651650310e-01;
	v6 =	vmax.f32 v6, $-2.651650310e-01  }
0x109: {  	v30 =	vld [tilespmem:s14+$0xD0];
	v7 =	vmax.f32 v7, $-2.651650310e-01;
	v8 =	vmax.f32 v8, $-2.651650310e-01;
	v9 =	vmax.f32 v9, $-2.651650310e-01  }
0x10a: {  	v31 =	vld [tilespmem:s14+$0xE0];
	v10 =	vmax.f32 v10, $-2.651650310e-01;
	v11 =	vmax.f32 v11, $-2.651650310e-01;
	v12 =	vmax.f32 v12, $-2.651650310e-01  }
0x10b: {  	v63 =	vld [tilespmem:s14+$0xFFFFFF00];
	v16 =	vmax.f32 v16, $-2.651650310e-01;
	v17 =	vmax.f32 v17, $-2.651650310e-01;
	v18 =	vmax.f32 v18, $-2.651650310e-01  }
0x10c: {  	v19 =	vmax.f32 v19, $-2.651650310e-01;
	v20 =	vmax.f32 v20, $-2.651650310e-01;
	v21 =	vmax.f32 v21, $-2.651650310e-01  }
0x10d: {  	v22 =	vmax.f32 v22, $-2.651650310e-01;
	v23 =	vmax.f32 v23, $-2.651650310e-01;
	v24 =	vmax.f32 v24, $-2.651650310e-01  }
0x10e: {  	v25 =	vmax.f32 v25, $-2.651650310e-01;
	v26 =	vmax.f32 v26, $-2.651650310e-01;
	v27 =	vmax.f32 v27, $-2.651650310e-01  }
0x10f: {  	v28 =	vmax.f32 v28, $-2.651650310e-01;
	v29 =	vmax.f32 v29, $-2.651650310e-01;
	v30 =	vmax.f32 v30, $-2.651650310e-01  }
0x110: {  	v31 =	vmax.f32 v31, $-2.651650310e-01;
	v32 =	vmax.f32 v63, $-2.651650310e-01;
	v2 =	vmin.f32 v2, $2.651650310e-01  }
0x111: {  	v3 =	vmin.f32 v3, $2.651650310e-01;
	v4 =	vmin.f32 v4, $2.651650310e-01;
	v5 =	vmin.f32 v5, $2.651650310e-01  }
0x112: {  	v6 =	vmin.f32 v6, $2.651650310e-01;
	v7 =	vmin.f32 v7, $2.651650310e-01;
	v8 =	vmin.f32 v8, $2.651650310e-01  }
0x113: {  	v9 =	vmin.f32 v9, $2.651650310e-01;
	v10 =	vmin.f32 v10, $2.651650310e-01;
	v11 =	vmin.f32 v11, $2.651650310e-01  }
0x114: {  	v12 =	vmin.f32 v12, $2.651650310e-01;
	v16 =	vmin.f32 v16, $2.651650310e-01;
	v17 =	vmin.f32 v17, $2.651650310e-01  }
0x115: {  	v18 =	vmin.f32 v18, $2.651650310e-01;
	v19 =	vmin.f32 v19, $2.651650310e-01;
	v20 =	vmin.f32 v20, $2.651650310e-01  }
0x116: {  	v21 =	vmin.f32 v21, $2.651650310e-01;
	v22 =	vmin.f32 v22, $2.651650310e-01;
	v2 =	vmul.f32 $2.828427120e+01, v2  }
0x117: {  	v23 =	vmin.f32 v23, $2.651650310e-01;
	v3 =	vmul.f32 $2.828427120e+01, v3;
	v4 =	vmul.f32 $2.828427120e+01, v4  }
0x118: {  	v24 =	vmin.f32 v24, $2.651650310e-01;
	v5 =	vmul.f32 $2.828427120e+01, v5;
	v6 =	vmul.f32 $2.828427120e+01, v6  }
0x119: {  	v32 =	vmin.f32 v32, $2.651650310e-01;
	v7 =	vmul.f32 $2.828427120e+01, v7;
	v8 =	vmul.f32 $2.828427120e+01, v8  }
0x11a: {  	v25 =	vmin.f32 v25, $2.651650310e-01;
	v9 =	vmul.f32 $2.828427120e+01, v9;
	v32 =	vmul.f32 $2.828427120e+01, v32  }
0x11b: {  	v26 =	vmin.f32 v26, $2.651650310e-01;
	v10 =	vmul.f32 $2.828427120e+01, v10;
	v11 =	vmul.f32 $2.828427120e+01, v11  }
0x11c: {  	v27 =	vmin.f32 v27, $2.651650310e-01;
	v12 =	vmul.f32 $2.828427120e+01, v12;
	v16 =	vmul.f32 $2.828427120e+01, v16  }
0x11d: {  	v28 =	vmin.f32 v28, $2.651650310e-01;
	v17 =	vmul.f32 $2.828427120e+01, v17;
	v18 =	vmul.f32 $2.828427120e+01, v18  }
0x11e: {  	v29 =	vmin.f32 v29, $2.651650310e-01;
	v19 =	vmul.f32 $2.828427120e+01, v19;
	v20 =	vmul.f32 $2.828427120e+01, v20  }
0x11f: {  	v30 =	vmin.f32 v30, $2.651650310e-01;
	v21 =	vmul.f32 $2.828427120e+01, v21;
	v22 =	vmul.f32 $2.828427120e+01, v22  }
0x120: {  	v31 =	vmin.f32 v31, $2.651650310e-01;
	v23 =	vmul.f32 $2.828427120e+01, v23;
	v24 =	vmul.f32 $2.828427120e+01, v24  }
0x121: {  	v25 =	vmul.f32 $2.828427120e+01, v25;
	v26 =	vmul.f32 $2.828427120e+01, v26;
	v2 =	vadd.f32 $8.000000000e+00, v2  }
0x122: {  	v27 =	vmul.f32 $2.828427120e+01, v27;
	v3 =	vadd.f32 $8.000000000e+00, v3;
	v4 =	vadd.f32 $8.000000000e+00, v4  }
0x123: {  	v28 =	vmul.f32 $2.828427120e+01, v28;
	v32 =	vadd.f32 $8.000000000e+00, v32;
	v5 =	vadd.f32 $8.000000000e+00, v5  }
0x124: {  	v29 =	vmul.f32 $2.828427120e+01, v29;
	v6 =	vadd.f32 $8.000000000e+00, v6;
	v7 =	vadd.f32 $8.000000000e+00, v7  }
0x125: {  	v30 =	vmul.f32 $2.828427120e+01, v30;
	v8 =	vadd.f32 $8.000000000e+00, v8;
	v9 =	vadd.f32 $8.000000000e+00, v9  }
0x126: {  	v31 =	vmul.f32 $2.828427120e+01, v31;
	v10 =	vadd.f32 $8.000000000e+00, v10;
	v11 =	vadd.f32 $8.000000000e+00, v11  }
0x127: {  	v12 =	vadd.f32 $8.000000000e+00, v12;
	v16 =	vadd.f32 $8.000000000e+00, v16;
	v2 =	vtrunc.f32 v2  }
0x128: {  	v17 =	vadd.f32 $8.000000000e+00, v17;
	v32 =	vtrunc.f32 v32;
	v3 =	vtrunc.f32 v3  }
0x129: {  	v18 =	vadd.f32 $8.000000000e+00, v18;
	v4 =	vtrunc.f32 v4;
	v5 =	vtrunc.f32 v5  }
0x12a: {  	v19 =	vadd.f32 $8.000000000e+00, v19;
	v6 =	vtrunc.f32 v6;
	v7 =	vtrunc.f32 v7  }
0x12b: {  	v20 =	vadd.f32 $8.000000000e+00, v20;
	v8 =	vtrunc.f32 v8;
	v9 =	vtrunc.f32 v9  }
0x12c: {  	v21 =	vadd.f32 $8.000000000e+00, v21;
	v10 =	vtrunc.f32 v10;
	v11 =	vtrunc.f32 v11  }
0x12d: {  	v22 =	vadd.f32 $8.000000000e+00, v22;
	v12 =	vtrunc.f32 v12;
	v16 =	vtrunc.f32 v16  }
0x12e: {  	v23 =	vadd.f32 $8.000000000e+00, v23;
	v17 =	vtrunc.f32 v17;
	v34 =	vtrunc.f32 v18  }
0x12f: {  	v24 =	vadd.f32 $8.000000000e+00, v24;
	v35 =	vtrunc.f32 v19;
	v36 =	vtrunc.f32 v20  }
0x130: {  	v25 =	vadd.f32 $8.000000000e+00, v25;
	v37 =	vtrunc.f32 v21;
	v38 =	vtrunc.f32 v22  }
0x131: {  	v39 =	vtrunc.f32 v23;
	v40 =	vtrunc.f32 v24  }
0x132: {  	v19 =	vadd.f32 $8.000000000e+00, v28;
	v42 =	vtrunc.f32 v25;
	v2 =	vcvt.f32.s32 v2  }
0x133: {  	v21 =	vadd.f32 $8.000000000e+00, v30;
	v32 =	vcvt.f32.s32 v32;
	v30 =	vcvt.f32.s32 v3  }
0x134: {  	v1 =	vld [tilespmem:$0x10000];
	v20 =	vadd.f32 $8.000000000e+00, v29;
	v28 =	vcvt.f32.s32 v5;
	v29 =	vcvt.f32.s32 v6  }
0x135: {  	v13 =	vld [tilespmem:s14+$0xFFFFFFB0];
	v18 =	vadd.f32 $8.000000000e+00, v27;
	v27 =	vcvt.f32.s32 v8;
	v22 =	vcvt.f32.s32 v9  }
0x136: {  	v14 =	vld [tilespmem:s14+$0xFFFFFFC0];
	v24 =	vcvt.f32.s32 v10;
	v25 =	vcvt.f32.s32 v11  }
0x137: {  	v15 =	vld [tilespmem:s14+$0xFFFFFFD0];
	v17 =	vcvt.f32.s32 v17;
	v11 =	vcvt.f32.s32 v38  }
0x138: {  	v10 =	vcvt.f32.s32 v39;
	v9 =	vcvt.f32.s32 v40  }
0x139: {  	v44 =	vtrunc.f32 v18;
	v45 =	vtrunc.f32 v19  }
0x13a: {  	v13 =	vmax.f32 v13, $-2.651650310e-01;
	v46 =	vtrunc.f32 v20;
	v2 =	vperm.xlane v1, v2  }
0x13b: {  	v14 =	vmax.f32 v14, $-2.651650310e-01;
	v47 =	vtrunc.f32 v21;
	v21 =	vcvt.f32.s32 v12  }
0x13c: {  	[tilespmem:s14+$0xF0] =	vst v2;
	v2 =	vmin.f32 v13, $2.651650310e-01;
	v13 =	vmin.f32 v14, $2.651650310e-01;
	v14 =	vmax.f32 v15, $-2.651650310e-01;
	v15 =	vld [tilespmem:s14+$0x70]  }
0x13d: {  	v18 =	vcvt.f32.s32 v16;
	v14 =	vmin.f32 v14, $2.651650310e-01;
	v2 =	vmul.f32 $2.828427120e+01, v2  }
0x13e: {  	v13 =	vmul.f32 $2.828427120e+01, v13;
	v14 =	vmul.f32 $2.828427120e+01, v14  }
0x13f: {  	v16 =	vcvt.f32.s32 v34;
	v12 =	vcvt.f32.s32 v37;
	v2 =	vadd.f32 $8.000000000e+00, v2  }
0x140: {  	v5 =	vcvt.f32.s32 v44;
	v13 =	vadd.f32 $8.000000000e+00, v13;
	v14 =	vadd.f32 $8.000000000e+00, v14  }
0x141: {  	v3 =	vcvt.f32.s32 v46;
	v15 =	vmax.f32 v15, $-2.651650310e-01;
	v2 =	vtrunc.f32 v2  }
0x142: {  	v13 =	vtrunc.f32 v13;
	v15 =	vmin.f32 v15, $2.651650310e-01;
	v33 =	vtrunc.f32 v14  }
0x143: {  	v14 =	vadd.f32 $8.000000000e+00, v26;
	v26 =	vcvt.f32.s32 v7;
	v20 =	vcvt.f32.s32 v2  }
0x144: {  	v19 =	vcvt.f32.s32 v13;
	v15 =	vmul.f32 $2.828427120e+01, v15  }
0x145: {  	v13 =	vcvt.f32.s32 v36;
	v7 =	vcvt.f32.s32 v42  }
0x146: {  	v2 =	vcvt.f32.s32 v47;
	v43 =	vtrunc.f32 v14;
	v15 =	vadd.f32 $8.000000000e+00, v15  }
0x147: {  	v23 =	vcvt.f32.s32 v33;
	v6 =	vcvt.f32.s32 v43  }
0x148: {  	v41 =	vtrunc.f32 v15;
	v15 =	vadd.f32 $8.000000000e+00, v31;
	v31 =	vcvt.f32.s32 v4  }
0x149: {  	v4 =	vcvt.f32.s32 v45;
	v8 =	vcvt.f32.s32 v41  }
0x14a: {  	s15 =	simm.s32 $0x0;
	s16 =	simm.s32 $0x8300;
	v14 =	vtrunc.f32 v15;
	v15 =	vcvt.f32.s32 v35  }
.LBB2_4:
0x14b: {  	v33 =	vld [tilespmem:s16+$0xF0];
	s15 =	sadd.s32 $0x4, s15;
	v32 =	vperm.xlane v1, v32;
	v14 =	vcvt.f32.s32 v14  }
0x14c: {  	v30 =	vperm.xlane v1, v30;
	v31 =	vperm.xlane v1, v31;
	v34 =	vld [tilespmem:s16+$0xFFFFFF10];
	p0 =	slt.u32 s15, $0xFC  }
0x14d: {  	v28 =	vperm.xlane v1, v28;
	v29 =	vperm.xlane v1, v29;
	v35 =	vld [tilespmem:s16+$0xFFFFFF20];
	[tilespmem:s14+$0xFFFFFF00] =	vst v32  }
0x14e: {  	v26 =	vperm.xlane v1, v26;
	v27 =	vperm.xlane v1, v27;
	v32 =	vld [tilespmem:s16+$0xFFFFFF30];
	[tilespmem:s14+$0xFFFFFF10] =	vst v30  }
0x14f: {  	v24 =	vperm.xlane v1, v24;
	v30 =	vld [tilespmem:s16+$0xFFFFFF40];
	[tilespmem:s14+$0xFFFFFF20] =	vst v31;
	v31 =	vperm.xlane v1, v22  }
0x150: {  	v25 =	vperm.xlane v1, v25;
	v36 =	vld [tilespmem:s16+$0xFFFFFF50];
	v22 =	vmax.f32 v33, $-2.651650310e-01;
	[tilespmem:s14+$0xFFFFFF30] =	vst v28;
	v28 =	vperm.xlane v1, v21  }
0x151: {  	v21 =	vmax.f32 v34, $-2.651650310e-01;
	v33 =	vld [tilespmem:s16+$0xFFFFFF60];
	v22 =	vmin.f32 v22, $2.651650310e-01;
	[tilespmem:s14+$0xFFFFFF40] =	vst v29;
	v29 =	vperm.xlane v1, v20  }
0x152: {  	v20 =	vmax.f32 v35, $-2.651650310e-01;
	v34 =	vld [tilespmem:s16+$0xFFFFFF70];
	v22 =	vmul.f32 $2.828427120e+01, v22;
	[tilespmem:s14+$0xFFFFFF50] =	vst v26;
	v26 =	vperm.xlane v1, v19  }
0x153: {  	v21 =	vmin.f32 v21, $2.651650310e-01;
	v19 =	vmin.f32 v20, $2.651650310e-01;
	v20 =	vmax.f32 v32, $-2.651650310e-01;
	v32 =	vld [tilespmem:s16+$0xFFFFFF80];
	[tilespmem:s14+$0xFFFFFF60] =	vst v27  }
0x154: {  	v20 =	vmin.f32 v20, $2.651650310e-01;
	v27 =	vmax.f32 v30, $-2.651650310e-01;
	v30 =	vld [tilespmem:s16+$0xFFFFFF90];
	v35 =	vadd.f32 $8.000000000e+00, v22;
	[tilespmem:s14+$0xFFFFFF90] =	vst v25  }
0x155: {  	v22 =	vmin.f32 v27, $2.651650310e-01;
	v25 =	vmax.f32 v36, $-2.651650310e-01;
	v27 =	vld [tilespmem:s16+$0xFFFFFFA0];
	[tilespmem:s14+$0xFFFFFF70] =	vst v31;
	v31 =	vperm.xlane v1, v23  }
0x156: {  	v23 =	vmin.f32 v25, $2.651650310e-01;
	v25 =	vmax.f32 v33, $-2.651650310e-01;
	v33 =	vld [tilespmem:s16+$0xFFFFFFB0];
	v35 =	vtrunc.f32 v35;
	[tilespmem:s14+$0xFFFFFF80] =	vst v24  }
0x157: {  	v24 =	vmin.f32 v25, $2.651650310e-01;
	v25 =	vmax.f32 v34, $-2.651650310e-01;
	v34 =	vld [tilespmem:s16+$0xFFFFFFC0];
	v35 =	vcvt.f32.s32 v35;
	[tilespmem:s14+$0xFFFFFFA0] =	vst v28  }
0x158: {  	v25 =	vmin.f32 v25, $2.651650310e-01;
	v28 =	vmax.f32 v32, $-2.651650310e-01;
	v32 =	vld [tilespmem:s16+$0xFFFFFFD0];
	[tilespmem:s14+$0xFFFFFFB0] =	vst v29;
	v29 =	vperm.xlane v1, v18  }
0x159: {  	v18 =	vmin.f32 v28, $2.651650310e-01;
	v28 =	vmax.f32 v30, $-2.651650310e-01;
	v30 =	vld [tilespmem:s16+$0xFFFFFFE0];
	v35 =	vperm.xlane v1, v35;
	[tilespmem:s14+$0xFFFFFFC0] =	vst v26  }
0x15a: {  	v17 =	vperm.xlane v1, v17;
	v26 =	vmin.f32 v28, $2.651650310e-01;
	v27 =	vmax.f32 v27, $-2.651650310e-01;
	v28 =	vld [tilespmem:s16+$0xFFFFFFF0];
	[tilespmem:s14+$0xFFFFFFD0] =	vst v31  }
0x15b: {  	v16 =	vperm.xlane v1, v16;
	v27 =	vmin.f32 v27, $2.651650310e-01;
	v31 =	vmax.f32 v33, $-2.651650310e-01;
	v33 =	vld [tilespmem:s16+$0x0];
	[tilespmem:s16+$0xF0] =	vst v35  }
0x15c: {  	v15 =	vperm.xlane v1, v15;
	v31 =	vmin.f32 v31, $2.651650310e-01;
	v34 =	vmax.f32 v34, $-2.651650310e-01;
	v35 =	vld [tilespmem:s16+$0x10];
	[tilespmem:s14+$0xFFFFFFE0] =	vst v29  }
0x15d: {  	v13 =	vperm.xlane v1, v13;
	v29 =	vmin.f32 v34, $2.651650310e-01;
	v32 =	vmax.f32 v32, $-2.651650310e-01;
	v34 =	vld [tilespmem:s16+$0x20];
	[tilespmem:s14+$0xFFFFFFF0] =	vst v17  }
0x15e: {  	v12 =	vperm.xlane v1, v12;
	v17 =	vmin.f32 v32, $2.651650310e-01;
	v30 =	vmax.f32 v30, $-2.651650310e-01;
	v32 =	vld [tilespmem:s16+$0x30];
	[tilespmem:s14+$0x0] =	vst v16  }
0x15f: {  	v11 =	vperm.xlane v1, v11;
	v16 =	vmin.f32 v30, $2.651650310e-01;
	v28 =	vmax.f32 v28, $-2.651650310e-01;
	v30 =	vld [tilespmem:s16+$0x40];
	[tilespmem:s14+$0x10] =	vst v15  }
0x160: {  	v10 =	vperm.xlane v1, v10;
	v15 =	vmin.f32 v28, $2.651650310e-01;
	v28 =	vmax.f32 v33, $-2.651650310e-01;
	v33 =	vld [tilespmem:s16+$0x50];
	[tilespmem:s14+$0x20] =	vst v13  }
0x161: {  	v9 =	vperm.xlane v1, v9;
	v13 =	vmin.f32 v28, $2.651650310e-01;
	v28 =	vmax.f32 v35, $-2.651650310e-01;
	v35 =	vld [tilespmem:s16+$0x60];
	[tilespmem:s14+$0x30] =	vst v12  }
0x162: {  	v8 =	vperm.xlane v1, v8;
	v12 =	vmin.f32 v28, $2.651650310e-01;
	v28 =	vmax.f32 v34, $-2.651650310e-01;
	v34 =	vld [tilespmem:s16+$0x70];
	[tilespmem:s14+$0x40] =	vst v11  }
0x163: {  	v7 =	vperm.xlane v1, v7;
	v11 =	vmin.f32 v28, $2.651650310e-01;
	v28 =	vmax.f32 v32, $-2.651650310e-01;
	v32 =	vld [tilespmem:s16+$0x80];
	[tilespmem:s14+$0x50] =	vst v10  }
0x164: {  	v6 =	vperm.xlane v1, v6;
	v10 =	vmin.f32 v28, $2.651650310e-01;
	v28 =	vmax.f32 v30, $-2.651650310e-01;
	v30 =	vld [tilespmem:s16+$0x90];
	[tilespmem:s14+$0x60] =	vst v9  }
0x165: {  	v5 =	vperm.xlane v1, v5;
	v9 =	vmin.f32 v28, $2.651650310e-01;
	v28 =	vmax.f32 v33, $-2.651650310e-01;
	v33 =	vld [tilespmem:s16+$0xA0];
	[tilespmem:s14+$0x70] =	vst v8  }
0x166: {  	v4 =	vperm.xlane v1, v4;
	v8 =	vmin.f32 v28, $2.651650310e-01;
	v28 =	vmax.f32 v35, $-2.651650310e-01;
	v35 =	vld [tilespmem:s16+$0xB0];
	[tilespmem:s14+$0x80] =	vst v7  }
0x167: {  	v3 =	vperm.xlane v1, v3;
	v7 =	vmin.f32 v28, $2.651650310e-01;
	v28 =	vmax.f32 v34, $-2.651650310e-01;
	v34 =	vld [tilespmem:s16+$0xC0];
	[tilespmem:s14+$0x90] =	vst v6  }
0x168: {  	v2 =	vperm.xlane v1, v2;
	v6 =	vmin.f32 v28, $2.651650310e-01;
	v28 =	vmax.f32 v32, $-2.651650310e-01;
	v32 =	vld [tilespmem:s16+$0xD0];
	[tilespmem:s14+$0xA0] =	vst v5  }
0x169: {  	v5 =	vmin.f32 v28, $2.651650310e-01;
	v28 =	vmax.f32 v30, $-2.651650310e-01;
	v30 =	vld [tilespmem:s16+$0xE0];
	[tilespmem:s14+$0xB0] =	vst v4;
	v4 =	vperm.xlane v1, v14  }
0x16a: {  	v14 =	vld [tilespmem:s16+$0xFFFFFF00];
	v28 =	vmin.f32 v28, $2.651650310e-01;
	v33 =	vmax.f32 v33, $-2.651650310e-01;
	[tilespmem:s14+$0xC0] =	vst v3  }
0x16b: {  	v3 =	vmul.f32 $2.828427120e+01, v21;
	v21 =	vmin.f32 v33, $2.651650310e-01;
	v33 =	vmax.f32 v35, $-2.651650310e-01  }
0x16c: {  	v19 =	vmul.f32 $2.828427120e+01, v19;
	v33 =	vmin.f32 v33, $2.651650310e-01;
	v34 =	vmax.f32 v34, $-2.651650310e-01  }
0x16d: {  	v20 =	vmul.f32 $2.828427120e+01, v20;
	v34 =	vmin.f32 v34, $2.651650310e-01;
	v32 =	vmax.f32 v32, $-2.651650310e-01  }
0x16e: {  	v22 =	vmul.f32 $2.828427120e+01, v22;
	v32 =	vmin.f32 v32, $2.651650310e-01;
	v30 =	vmax.f32 v30, $-2.651650310e-01  }
0x16f: {  	v23 =	vmul.f32 $2.828427120e+01, v23;
	v14 =	vmax.f32 v14, $-2.651650310e-01;
	v30 =	vmin.f32 v30, $2.651650310e-01  }
0x170: {  	v24 =	vmul.f32 $2.828427120e+01, v24;
	v25 =	vmul.f32 $2.828427120e+01, v25;
	v14 =	vmin.f32 v14, $2.651650310e-01;
	[tilespmem:s14+$0xD0] =	vst v2  }
0x171: {  	v3 =	vadd.f32 $8.000000000e+00, v3;
	v2 =	vmul.f32 $2.828427120e+01, v14;
	v14 =	vmul.f32 $2.828427120e+01, v18;
	[tilespmem:s14+$0xE0] =	vst v4;
	s14 =	smov.u32 s16  }
0x172: {  	v4 =	vadd.f32 $8.000000000e+00, v19;
	v18 =	vmul.f32 $2.828427120e+01, v26;
	v19 =	vmul.f32 $2.828427120e+01, v27  }
0x173: {  	v26 =	vmul.f32 $2.828427120e+01, v31;
	v27 =	vmul.f32 $2.828427120e+01, v29;
	v2 =	vadd.f32 $8.000000000e+00, v2  }
0x174: {  	v20 =	vadd.f32 $8.000000000e+00, v20;
	v17 =	vmul.f32 $2.828427120e+01, v17;
	v16 =	vmul.f32 $2.828427120e+01, v16  }
0x175: {  	v22 =	vadd.f32 $8.000000000e+00, v22;
	v15 =	vmul.f32 $2.828427120e+01, v15;
	v13 =	vmul.f32 $2.828427120e+01, v13  }
0x176: {  	v23 =	vadd.f32 $8.000000000e+00, v23;
	v12 =	vmul.f32 $2.828427120e+01, v12;
	v11 =	vmul.f32 $2.828427120e+01, v11  }
0x177: {  	v24 =	vadd.f32 $8.000000000e+00, v24;
	v10 =	vmul.f32 $2.828427120e+01, v10;
	v9 =	vmul.f32 $2.828427120e+01, v9  }
0x178: {  	v25 =	vadd.f32 $8.000000000e+00, v25;
	v8 =	vmul.f32 $2.828427120e+01, v8;
	v7 =	vmul.f32 $2.828427120e+01, v7  }
0x179: {  	v6 =	vmul.f32 $2.828427120e+01, v6;
	v5 =	vmul.f32 $2.828427120e+01, v5;
	v14 =	vadd.f32 $8.000000000e+00, v14  }
0x17a: {  	v28 =	vmul.f32 $2.828427120e+01, v28;
	v21 =	vmul.f32 $2.828427120e+01, v21;
	v18 =	vadd.f32 $8.000000000e+00, v18  }
0x17b: {  	v29 =	vmul.f32 $2.828427120e+01, v33;
	v31 =	vmul.f32 $2.828427120e+01, v34;
	v19 =	vadd.f32 $8.000000000e+00, v19  }
0x17c: {  	v32 =	vmul.f32 $2.828427120e+01, v32;
	v30 =	vmul.f32 $2.828427120e+01, v30;
	v26 =	vadd.f32 $8.000000000e+00, v26  }
0x17d: {  	v17 =	vadd.f32 $8.000000000e+00, v17;
	v27 =	vadd.f32 $8.000000000e+00, v27;
	v2 =	vtrunc.f32 v2  }
0x17e: {  	v16 =	vadd.f32 $8.000000000e+00, v16;
	v15 =	vadd.f32 $8.000000000e+00, v15;
	v3 =	vtrunc.f32 v3  }
0x17f: {  	v13 =	vadd.f32 $8.000000000e+00, v13;
	v12 =	vadd.f32 $8.000000000e+00, v12;
	v4 =	vtrunc.f32 v4  }
0x180: {  	v20 =	vtrunc.f32 v20;
	v11 =	vadd.f32 $8.000000000e+00, v11;
	v10 =	vadd.f32 $8.000000000e+00, v10  }
0x181: {  	v22 =	vtrunc.f32 v22;
	v9 =	vadd.f32 $8.000000000e+00, v9;
	v8 =	vadd.f32 $8.000000000e+00, v8  }
0x182: {  	v23 =	vtrunc.f32 v23;
	v7 =	vadd.f32 $8.000000000e+00, v7;
	v6 =	vadd.f32 $8.000000000e+00, v6  }
0x183: {  	v24 =	vtrunc.f32 v24;
	v5 =	vadd.f32 $8.000000000e+00, v5;
	v28 =	vadd.f32 $8.000000000e+00, v28  }
0x184: {  	v25 =	vtrunc.f32 v25;
	v21 =	vadd.f32 $8.000000000e+00, v21;
	v29 =	vadd.f32 $8.000000000e+00, v29  }
0x185: {  	v33 =	vtrunc.f32 v14;
	v14 =	vadd.f32 $8.000000000e+00, v31;
	v31 =	vadd.f32 $8.000000000e+00, v32  }
0x186: {  	v30 =	vadd.f32 $8.000000000e+00, v30;
	v18 =	vtrunc.f32 v18;
	v19 =	vtrunc.f32 v19  }
0x187: {  	v34 =	vtrunc.f32 v26;
	v35 =	vtrunc.f32 v27  }
0x188: {  	v17 =	vtrunc.f32 v17;
	v16 =	vtrunc.f32 v16  }
0x189: {  	v15 =	vtrunc.f32 v15;
	v13 =	vtrunc.f32 v13  }
0x18a: {  	v12 =	vtrunc.f32 v12;
	v11 =	vtrunc.f32 v11  }
0x18b: {  	v10 =	vtrunc.f32 v10;
	v9 =	vtrunc.f32 v9  }
0x18c: {  	v8 =	vtrunc.f32 v8;
	v7 =	vtrunc.f32 v7  }
0x18d: {  	v6 =	vtrunc.f32 v6;
	v5 =	vtrunc.f32 v5  }
0x18e: {  	v36 =	vtrunc.f32 v28;
	v37 =	vtrunc.f32 v21  }
0x18f: {  	v38 =	vtrunc.f32 v29;
	v39 =	vtrunc.f32 v14  }
0x190: {  	v40 =	vtrunc.f32 v31;
	v14 =	vtrunc.f32 v30  }
0x191: {  	v32 =	vcvt.f32.s32 v2;
	v30 =	vcvt.f32.s32 v3  }
0x192: {  	v28 =	vcvt.f32.s32 v20;
	v31 =	vcvt.f32.s32 v4  }
0x193: {  	v29 =	vcvt.f32.s32 v22;
	v26 =	vcvt.f32.s32 v23  }
0x194: {  	v27 =	vcvt.f32.s32 v24;
	v22 =	vcvt.f32.s32 v25  }
0x195: {  	v24 =	vcvt.f32.s32 v33;
	v25 =	vcvt.f32.s32 v18  }
0x196: {  	v21 =	vcvt.f32.s32 v19;
	v20 =	vcvt.f32.s32 v34  }
0x197: {  	v23 =	vcvt.f32.s32 v17;
	v19 =	vcvt.f32.s32 v35  }
0x198: {  	v17 =	vcvt.f32.s32 v15;
	v18 =	vcvt.f32.s32 v16  }
0x199: {  	v15 =	vcvt.f32.s32 v12;
	v16 =	vcvt.f32.s32 v13  }
0x19a: {  	v12 =	vcvt.f32.s32 v10;
	v13 =	vcvt.f32.s32 v11  }
.Ltmp1:
0x19b: {  	v10 =	vcvt.f32.s32 v8;
	v11 =	vcvt.f32.s32 v9;
	(pc) =	sbr.rel @p0 .LBB2_4-.Ltmp1, $4  }
0x19c: {  	v8 =	vcvt.f32.s32 v6;
	v9 =	vcvt.f32.s32 v7  }
0x19d: {  	v6 =	vcvt.f32.s32 v36;
	v7 =	vcvt.f32.s32 v5  }
0x19e: {  	v5 =	vcvt.f32.s32 v37;
	v4 =	vcvt.f32.s32 v38  }
0x19f: {  	s16 =	sadd.s32 $0x200, s16;
	v3 =	vcvt.f32.s32 v39;
	v2 =	vcvt.f32.s32 v40  }
0x1a0: {  	v32 =	vperm.xlane v1, v32  }
0x1a1: {  	v30 =	vperm.xlane v1, v30  }
0x1a2: {  	v31 =	vperm.xlane v1, v31;
	[tilespmem:s14+$0xFFFFFF00] =	vst v32  }
0x1a3: {  	v28 =	vperm.xlane v1, v28;
	[tilespmem:s14+$0xFFFFFF10] =	vst v30  }
0x1a4: {  	v29 =	vperm.xlane v1, v29;
	[tilespmem:s14+$0xFFFFFF20] =	vst v31  }
0x1a5: {  	v26 =	vperm.xlane v1, v26;
	[tilespmem:s14+$0xFFFFFF30] =	vst v28  }
0x1a6: {  	v27 =	vperm.xlane v1, v27;
	[tilespmem:s14+$0xFFFFFF40] =	vst v29  }
0x1a7: {  	v25 =	vperm.xlane v1, v25;
	[tilespmem:s14+$0xFFFFFF50] =	vst v26  }
0x1a8: {  	v22 =	vperm.xlane v1, v22;
	[tilespmem:s14+$0xFFFFFF60] =	vst v27  }
0x1a9: {  	v24 =	vperm.xlane v1, v24;
	[tilespmem:s14+$0xFFFFFF90] =	vst v25  }
0x1aa: {  	v21 =	vperm.xlane v1, v21;
	[tilespmem:s14+$0xFFFFFF70] =	vst v22  }
0x1ab: {  	v20 =	vperm.xlane v1, v20;
	[tilespmem:s14+$0xFFFFFF80] =	vst v24  }
0x1ac: {  	v19 =	vperm.xlane v1, v19;
	[tilespmem:s14+$0xFFFFFFA0] =	vst v21  }
0x1ad: {  	v62 =	vperm.xlane v1, v23;
	[tilespmem:s14+$0xFFFFFFB0] =	vst v20  }
0x1ae: {  	v18 =	vperm.xlane v1, v18;
	[tilespmem:s14+$0xFFFFFFC0] =	vst v19  }
0x1af: {  	v17 =	vperm.xlane v1, v17;
	[tilespmem:s14+$0xFFFFFFD0] =	vst v62  }
0x1b0: {  	v16 =	vperm.xlane v1, v16;
	[tilespmem:s14+$0xFFFFFFE0] =	vst v18  }
0x1b1: {  	v15 =	vperm.xlane v1, v15;
	[tilespmem:s14+$0xFFFFFFF0] =	vst v17  }
0x1b2: {  	v13 =	vperm.xlane v1, v13;
	[tilespmem:s14+$0x0] =	vst v16  }
0x1b3: {  	v12 =	vperm.xlane v1, v12;
	[tilespmem:s14+$0x10] =	vst v15  }
0x1b4: {  	v11 =	vperm.xlane v1, v11;
	[tilespmem:s14+$0x20] =	vst v13  }
0x1b5: {  	v10 =	vperm.xlane v1, v10;
	[tilespmem:s14+$0x30] =	vst v12  }
0x1b6: {  	v9 =	vperm.xlane v1, v9;
	[tilespmem:s14+$0x40] =	vst v11  }
0x1b7: {  	v8 =	vperm.xlane v1, v8;
	[tilespmem:s14+$0x50] =	vst v10  }
0x1b8: {  	v7 =	vperm.xlane v1, v7;
	[tilespmem:s14+$0x60] =	vst v9  }
0x1b9: {  	v6 =	vperm.xlane v1, v6;
	[tilespmem:s14+$0x70] =	vst v8  }
0x1ba: {  	v5 =	vperm.xlane v1, v5;
	[tilespmem:s14+$0x80] =	vst v7  }
0x1bb: {  	v4 =	vperm.xlane v1, v4;
	[tilespmem:s14+$0x90] =	vst v6  }
0x1bc: {  	v63 =	vcvt.f32.s32 v14;
	v3 =	vperm.xlane v1, v3;
	[tilespmem:s14+$0xA0] =	vst v5  }
0x1bd: {  	v2 =	vperm.xlane v1, v2;
	[tilespmem:s14+$0xB0] =	vst v4  }
0x1be: {  	s13 =	sadd.s32 $0x1, s13;
	v1 =	vperm.xlane v1, v63;
	[tilespmem:s14+$0xC0] =	vst v3  }
0x1bf: {  	p0 =	sne.s32 s13, s7;
	[tilespmem:s14+$0xD0] =	vst v2  }
.Ltmp2:
0x1c0: {  	[tilespmem:s14+$0xE0] =	vst v1;
	(pc) =	sbr.rel @p0 .LBB2_1-.Ltmp2, $4  }
0x1c1: {  	[hbm4b:s6+s0] =	stream.linear.scatter [tilespmem:s8], [sflag:$0x4], $0x8000, $0x38;
	[tilespmem:$0x10080] =	vst v63  }
0x1c2: {  	_ =	swait.ge [sflag:s12], $0x8000  }
0x1c3: {  	[sflag:s12] =	ssyncset.done $0x0  }
0x1c4: {  	[sflag:s12] =	ssyncadd.s32 $0xFFFF8000  }
0x1c5: {  	_ =	sfence.sel $0x180000  }
0x1c6: {  	[bflag:$0x0] =	sbarrier.arrive $0xFFFF  }
0x1c7: {  	p0 =	sne.s32 s1, $0x0;
	_ =	strace $0x90000047  }
0x1c8: {  	s0 =	sadd.s32 @!p0 $0x100000, s2;
	[bflag:$0x2] =	sbarrier.arrive $0xFFFF  }
0x1c9: {  	[sflag:s0] =	ssyncadd.tile.s32 @!p0 $0x1;
	_ =	shalt  }
.Lfunc_end2:
_tile_overlayer_lowered:
.L_overlay_start_2:
0x1ca: {  	(tag) =	ssettag $0x2  }
0x1cb: {  	s0 =	rddreg [dreg:$0x0];
	s2 =	stileid.u32  }
0x1cc: {  	s1 =	rddreg [dreg:$0x1];
	p0 =	sne.s32 s2, $0x0  }
0x1cd: {  	s3 =	rddreg [dreg:$0x2];
	[bflag:$0x3] =	sbarrier.arrive $0xFFFF;
	s2 =	simm.s32 @!p0 $0x1C05  }
0x1ce: {  	[timem:s3], [sflag:s2] =	dma.local @!p0 [hbm:s0], s1  }
0x1cf: {  	s0 =	simm.s32 @!p0 $0x5  }
0x1d0: {  	_ =	swait.ge @!p0 [sflag:s0], s1  }
0x1d1: {  	s1 =	ssub.s32 @!p0 $0x0, s1;
	[sflag:s0] =	ssyncset.done @!p0 $0x0  }
0x1d2: {  	[sflag:s0] =	ssyncadd.s32 @!p0 s1  }
0x1d3: {  	[bflag:$0x3] =	sbarrier.arrive $0xFFFF  }
0x1d4: {  	_ =	shalt  }

</sc_bundles>
